<compile_context>
chip_gen: v7x
topology: tpu7x:2x2x1
jax: 0.10.2.dev20260603
libtpu: 0.0.44.dev20260713+nightly
codegen_flags: <defaults>
</compile_context>

<pallas_src>
import functools

import jax
import jax.numpy as jnp
from jax import lax
from jax.experimental import pallas as pl
from jax.experimental.pallas import tpu as pltpu
from jax.experimental.pallas import tpu_sc as plsc

B = 4096
L = 50
D = 64
NW = 32
NS = 16
BPW = B // NW
IPW = BPW * L
RPC = 1
CH = RPC * L
NCH = IPW // CH
NJ = D // 16
NBUF = 4
RUN = 8
DPAD = 56

_mesh = plsc.VectorSubcoreMesh(core_axis_name="c", subcore_axis_name="s")


@functools.partial(
    pl.kernel,
    mesh=_mesh,
    compiler_params=pltpu.CompilerParams(use_tc_tiling_on_sc=False),
    out_type=jax.ShapeDtypeStruct((B, D), jnp.float32),
    scratch_types=[
        pltpu.VMEM((BPW, L), jnp.int32),
        pltpu.VMEM((NCH * DPAD + 16,), jnp.int32),
        pltpu.VMEM((NBUF, CH, D), jnp.float32),
        pltpu.VMEM((BPW, D), jnp.float32),
        pltpu.VMEM_SHARED((NS * BPW, D), jnp.float32),
        pltpu.SemaphoreType.DMA,
        pltpu.SemaphoreType.DMA,
        pltpu.SemaphoreType.DMA,
        pltpu.SemaphoreType.DMA,
        pltpu.SemaphoreType.DMA,
    ],
)
def _mean_embed(table_hbm, x_hbm, out_hbm,
                x2_v, d_v, rows_v, stage_v, acc_sh,
                gs0, gs1, gs2, gs3, ssem):
    cid = lax.axis_index("c")
    sid = lax.axis_index("s")
    wid = sid * 2 + cid
    pltpu.sync_copy(x_hbm.at[pl.ds(wid * BPW, BPW)], x2_v)
    gsems = (gs0, gs1, gs2, gs3)

    base = (sid * BPW).astype(jnp.int32)
    zero = jnp.zeros((16,), jnp.float32)
    onei = jnp.zeros((16,), jnp.int32)

    def dst_block(c, carry):
        val = onei + (base + c)
        for j in range(4):
            d_v[pl.ds(c * DPAD + j * 16, 16)] = val
        return carry

    lax.fori_loop(0, NCH, dst_block, 0)

    def zero_block(g, carry):
        for rr in range(RUN):
            for j in range(NJ):
                stage_v[g * RUN + rr, pl.ds(j * 16, 16)] = zero
        return carry

    lax.fori_loop(0, BPW // RUN, zero_block, 0)
    pltpu.sync_copy(stage_v, acc_sh.at[pl.ds(sid * BPW, BPW)])

    def gather(c, b):
        return pltpu.make_async_copy(
            table_hbm.at[x2_v.at[c]], rows_v.at[b], gsems[b])

    for b in range(NBUF):
        gather(b, b).start()

    def step(i, carry):
        for b in range(NBUF):
            c = i * NBUF + b
            gather(c, b).wait()
            pltpu.async_copy(
                rows_v.at[b], acc_sh.at[d_v.at[pl.ds(c * DPAD, CH)]], ssem,
                add=True).wait()

            @pl.when(c + NBUF < NCH)
            def _():
                gather(c + NBUF, b).start()

        return carry

    lax.fori_loop(0, NCH // NBUF, step, 0)
    pltpu.sync_copy(acc_sh.at[pl.ds(sid * BPW, BPW)], stage_v)

    def scale_block(g, carry):
        for rr in range(RUN):
            r = g * RUN + rr
            for j in range(NJ):
                stage_v[r, pl.ds(j * 16, 16)] = (
                    stage_v[r, pl.ds(j * 16, 16)] * (1.0 / L))
        return carry

    lax.fori_loop(0, BPW // RUN, scale_block, 0)
    pltpu.sync_copy(stage_v, out_hbm.at[pl.ds(wid * BPW, BPW)])


def kernel(vectors, x):
    return _mean_embed(vectors, x.astype(jnp.int32))

# --- scband reference (transcript-rebuilt; emitter-appended) ---
"""Pipeline reference for scband-mean-embedder-90005334655281 (READ-ONLY COPY).

The authoritative reference and input builder live on the scoring server;
editing this copy changes nothing except your own understanding.
"""

import jax, jax.numpy as jnp
import numpy as np


def setup_inputs(seed: int = 0) -> dict:
    key = jax.random.key(seed)
    k1, k2 = jax.random.split(key)
    vectors = jax.random.normal(k1, (100000, 64), dtype=jnp.float32)
    x = jax.random.randint(k2, (4096, 50), 0, 100000, dtype=jnp.int64)
    return {"vectors": vectors, "x": x}


def reference(vectors, x):
    # nn.Embedding lookup (frozen pretrained table), then mean over sequence dim
    embeddings = jnp.take(vectors, x, axis=0)  # [B, L, D]
    out = embeddings.mean(axis=1)              # [B, D]
    return out

if __name__ == "__main__":
    import jax
    _d = setup_inputs()
    print(jax.jit(kernel)(*tuple(_d.values())))

</pallas_src>

<mosaic_0001>
#map = affine_map<(d0, d1) -> (0, 0)>
module attributes {stable_mosaic.version = 14 : i64} {
  func.func @_mean_embed(%arg0: i32, %arg1: i32, %arg2: memref<100000x64xf32, #tpu.memory_space<hbm>>, %arg3: memref<4096x50xi32, #tpu.memory_space<hbm>>, %arg4: memref<4096x64xf32, #tpu.memory_space<hbm>>, %arg5: memref<128x50xi32, #tpu.memory_space<vmem>>, %arg6: memref<7184xi32, #tpu.memory_space<vmem>>, %arg7: memref<4x50x64xf32, #tpu.memory_space<vmem>>, %arg8: memref<128x64xf32, #tpu.memory_space<vmem>>, %arg9: memref<2048x64xf32, #tpu.memory_space<vmem_shared>>, %arg10: memref<!tpu.dma_semaphore, #tpu.memory_space<semaphore_mem>>, %arg11: memref<!tpu.dma_semaphore, #tpu.memory_space<semaphore_mem>>, %arg12: memref<!tpu.dma_semaphore, #tpu.memory_space<semaphore_mem>>, %arg13: memref<!tpu.dma_semaphore, #tpu.memory_space<semaphore_mem>>, %arg14: memref<!tpu.dma_semaphore, #tpu.memory_space<semaphore_mem>>) attributes {dimension_semantics = [#tpu.dimension_semantics<core_parallel>, #tpu.dimension_semantics<subcore_parallel>], iteration_bounds = array<i64: 2, 16>, scalar_prefetch = 0 : i64, scratch_operands = 10 : i64, tpu.core_type = #tpu.core_type<sc_vector_subcore>, window_params = [{transform_indices = #map}, {transform_indices = #map}, {transform_indices = #map}]} {
    %mul3A = arith.constant 2 : i32
    %mul3A_0 = arith.muli %arg1, %mul3A : i32
    %add3A = arith.addi %mul3A_0, %arg0 : i32
    %mul3A_1 = arith.constant 128 : i32
    %mul3A_2 = arith.muli %add3A, %mul3A_1 : i32
    "tpu.region"() ({
      %run_scoped3A = tpu.sem_alloc : memref<!tpu.dma_semaphore, #tpu.memory_space<semaphore_mem>>
      %dma_start3A_84 = arith.constant 0 : i32
      %dma_start3A_85 = tpu.memref_slice %arg3[%mul3A_2, %dma_start3A_84] : memref<4096x50xi32, #tpu.memory_space<hbm>> -> memref<128x50xi32, #tpu.memory_space<hbm>>
      %dma_start3A_86 = arith.constant 0 : i32
      %dma_start3A_87 = tpu.memref_slice %arg3[%mul3A_2, %dma_start3A_86] : memref<4096x50xi32, #tpu.memory_space<hbm>> -> memref<128x50xi32, #tpu.memory_space<hbm>>
      tpu.enqueue_dma source(%dma_start3A_87 : memref<128x50xi32, #tpu.memory_space<hbm>>) target(%arg5 : memref<128x50xi32, #tpu.memory_space<vmem>>) target_semaphore(%run_scoped3A : memref<!tpu.dma_semaphore, #tpu.memory_space<semaphore_mem>>)
      %dma_wait3A = arith.constant 0 : i32
      %dma_wait3A_88 = tpu.memref_slice %arg3[%mul3A_2, %dma_wait3A] : memref<4096x50xi32, #tpu.memory_space<hbm>> -> memref<128x50xi32, #tpu.memory_space<hbm>>
      %dma_wait3A_89 = arith.constant 0 : i32
      %dma_wait3A_90 = tpu.memref_slice %arg3[%mul3A_2, %dma_wait3A_89] : memref<4096x50xi32, #tpu.memory_space<hbm>> -> memref<128x50xi32, #tpu.memory_space<hbm>>
      tpu.wait_dma2 semaphore(%run_scoped3A : memref<!tpu.dma_semaphore, #tpu.memory_space<semaphore_mem>>) src(%dma_wait3A_90 : memref<128x50xi32, #tpu.memory_space<hbm>>) dst(%arg5 : memref<128x50xi32, #tpu.memory_space<vmem>>)
      tpu.yield
    }) : () -> ()
    %mul3A_3 = arith.constant 128 : i32
    %mul3A_4 = arith.muli %arg1, %mul3A_3 : i32
    %broadcast_in_dim3A = arith.constant 0.000000e+00 : f32
    %broadcast_in_dim3A_5 = vector.broadcast %broadcast_in_dim3A : f32 to vector<16xf32>
    %broadcast_in_dim3A_6 = arith.constant 0 : i32
    %broadcast_in_dim3A_7 = vector.broadcast %broadcast_in_dim3A_6 : i32 to vector<16xi32>
    %scan3A = arith.constant 0 : i32
    %scan3A_8 = arith.constant 0 : i32
    %scan3A_9 = arith.constant 128 : i32
    %scan3A_10 = arith.addi %scan3A_8, %scan3A_9 : i32
    %scan3A_11 = arith.constant 1 : i32
    scf.for %scan3A_84 = %scan3A_8 to %scan3A_10 step %scan3A_11  : i32 {
      %add3A_85 = arith.addi %mul3A_4, %scan3A_84 : i32
      %add3A_86 = vector.broadcast %add3A_85 : i32 to vector<16xi32>
      %add3A_87 = arith.addi %broadcast_in_dim3A_7, %add3A_86 : vector<16xi32>
      %mul3A_88 = arith.constant 56 : i32
      %mul3A_89 = arith.muli %scan3A_84, %mul3A_88 : i32
      %add3A_90 = arith.constant 0 : i32
      %add3A_91 = arith.addi %mul3A_89, %add3A_90 : i32
      %swap3A = arith.index_cast %add3A_91 : i32 to index
      %swap3A_92 = tpu.vector_load %arg6[%swap3A] {strides = array<i32>} : memref<7184xi32, #tpu.memory_space<vmem>>, vector<16xi32>,
      %swap3A_93 = vector.shape_cast %swap3A_92 : vector<16xi32> to vector<16xi32>
      %swap3A_94 = vector.shape_cast %add3A_87 : vector<16xi32> to vector<16xi32>
      tpu.vector_store %arg6[%swap3A], %swap3A_94 {strides = array<i32>} : memref<7184xi32, #tpu.memory_space<vmem>>, vector<16xi32>,
      %mul3A_95 = arith.constant 56 : i32
      %mul3A_96 = arith.muli %scan3A_84, %mul3A_95 : i32
      %add3A_97 = arith.constant 16 : i32
      %add3A_98 = arith.addi %mul3A_96, %add3A_97 : i32
      %swap3A_99 = arith.index_cast %add3A_98 : i32 to index
      %swap3A_100 = tpu.vector_load %arg6[%swap3A_99] {strides = array<i32>} : memref<7184xi32, #tpu.memory_space<vmem>>, vector<16xi32>,
      %swap3A_101 = vector.shape_cast %swap3A_100 : vector<16xi32> to vector<16xi32>
      %swap3A_102 = vector.shape_cast %add3A_87 : vector<16xi32> to vector<16xi32>
      tpu.vector_store %arg6[%swap3A_99], %swap3A_102 {strides = array<i32>} : memref<7184xi32, #tpu.memory_space<vmem>>, vector<16xi32>,
      %mul3A_103 = arith.constant 56 : i32
      %mul3A_104 = arith.muli %scan3A_84, %mul3A_103 : i32
      %add3A_105 = arith.constant 32 : i32
      %add3A_106 = arith.addi %mul3A_104, %add3A_105 : i32
      %swap3A_107 = arith.index_cast %add3A_106 : i32 to index
      %swap3A_108 = tpu.vector_load %arg6[%swap3A_107] {strides = array<i32>} : memref<7184xi32, #tpu.memory_space<vmem>>, vector<16xi32>,
      %swap3A_109 = vector.shape_cast %swap3A_108 : vector<16xi32> to vector<16xi32>
      %swap3A_110 = vector.shape_cast %add3A_87 : vector<16xi32> to vector<16xi32>
      tpu.vector_store %arg6[%swap3A_107], %swap3A_110 {strides = array<i32>} : memref<7184xi32, #tpu.memory_space<vmem>>, vector<16xi32>,
      %mul3A_111 = arith.constant 56 : i32
      %mul3A_112 = arith.muli %scan3A_84, %mul3A_111 : i32
      %add3A_113 = arith.constant 48 : i32
      %add3A_114 = arith.addi %mul3A_112, %add3A_113 : i32
      %swap3A_115 = arith.index_cast %add3A_114 : i32 to index
      %swap3A_116 = tpu.vector_load %arg6[%swap3A_115] {strides = array<i32>} : memref<7184xi32, #tpu.memory_space<vmem>>, vector<16xi32>,
      %swap3A_117 = vector.shape_cast %swap3A_116 : vector<16xi32> to vector<16xi32>
      %swap3A_118 = vector.shape_cast %add3A_87 : vector<16xi32> to vector<16xi32>
      tpu.vector_store %arg6[%swap3A_115], %swap3A_118 {strides = array<i32>} : memref<7184xi32, #tpu.memory_space<vmem>>, vector<16xi32>,
    }
    %scan3A_12 = arith.constant 128 : i32
    %scan3A_13 = arith.constant 0 : i32
    %scan3A_14 = arith.constant 0 : i32
    %scan3A_15 = arith.constant 16 : i32
    %scan3A_16 = arith.addi %scan3A_14, %scan3A_15 : i32
    %scan3A_17 = arith.constant 1 : i32
    scf.for %scan3A_84 = %scan3A_14 to %scan3A_16 step %scan3A_17  : i32 {
      %mul3A_85 = arith.constant 8 : i32
      %mul3A_86 = arith.muli %scan3A_84, %mul3A_85 : i32
      %add3A_87 = arith.constant 0 : i32
      %add3A_88 = arith.addi %mul3A_86, %add3A_87 : i32
      %swap3A = arith.index_cast %add3A_88 : i32 to index
      %swap3A_89 = arith.constant 0 : index
      %swap3A_90 = tpu.vector_load %arg8[%swap3A, %swap3A_89] {strides = array<i32>} : memref<128x64xf32, #tpu.memory_space<vmem>>, vector<1x16xf32>,
      %swap3A_91 = vector.shape_cast %swap3A_90 : vector<1x16xf32> to vector<16xf32>
      %swap3A_92 = vector.shape_cast %broadcast_in_dim3A_5 : vector<16xf32> to vector<1x16xf32>
      tpu.vector_store %arg8[%swap3A, %swap3A_89], %swap3A_92 {strides = array<i32>} : memref<128x64xf32, #tpu.memory_space<vmem>>, vector<1x16xf32>,
      %mul3A_93 = arith.constant 8 : i32
      %mul3A_94 = arith.muli %scan3A_84, %mul3A_93 : i32
      %add3A_95 = arith.constant 0 : i32
      %add3A_96 = arith.addi %mul3A_94, %add3A_95 : i32
      %swap3A_97 = arith.index_cast %add3A_96 : i32 to index
      %swap3A_98 = arith.constant 16 : index
      %swap3A_99 = tpu.vector_load %arg8[%swap3A_97, %swap3A_98] {strides = array<i32>} : memref<128x64xf32, #tpu.memory_space<vmem>>, vector<1x16xf32>,
      %swap3A_100 = vector.shape_cast %swap3A_99 : vector<1x16xf32> to vector<16xf32>
      %swap3A_101 = vector.shape_cast %broadcast_in_dim3A_5 : vector<16xf32> to vector<1x16xf32>
      tpu.vector_store %arg8[%swap3A_97, %swap3A_98], %swap3A_101 {strides = array<i32>} : memref<128x64xf32, #tpu.memory_space<vmem>>, vector<1x16xf32>,
      %mul3A_102 = arith.constant 8 : i32
      %mul3A_103 = arith.muli %scan3A_84, %mul3A_102 : i32
      %add3A_104 = arith.constant 0 : i32
      %add3A_105 = arith.addi %mul3A_103, %add3A_104 : i32
      %swap3A_106 = arith.index_cast %add3A_105 : i32 to index
      %swap3A_107 = arith.constant 32 : index
      %swap3A_108 = tpu.vector_load %arg8[%swap3A_106, %swap3A_107] {strides = array<i32>} : memref<128x64xf32, #tpu.memory_space<vmem>>, vector<1x16xf32>,
      %swap3A_109 = vector.shape_cast %swap3A_108 : vector<1x16xf32> to vector<16xf32>
      %swap3A_110 = vector.shape_cast %broadcast_in_dim3A_5 : vector<16xf32> to vector<1x16xf32>
      tpu.vector_store %arg8[%swap3A_106, %swap3A_107], %swap3A_110 {strides = array<i32>} : memref<128x64xf32, #tpu.memory_space<vmem>>, vector<1x16xf32>,
      %mul3A_111 = arith.constant 8 : i32
      %mul3A_112 = arith.muli %scan3A_84, %mul3A_111 : i32
      %add3A_113 = arith.constant 0 : i32
      %add3A_114 = arith.addi %mul3A_112, %add3A_113 : i32
      %swap3A_115 = arith.index_cast %add3A_114 : i32 to index
      %swap3A_116 = arith.constant 48 : index
      %swap3A_117 = tpu.vector_load %arg8[%swap3A_115, %swap3A_116] {strides = array<i32>} : memref<128x64xf32, #tpu.memory_space<vmem>>, vector<1x16xf32>,
      %swap3A_118 = vector.shape_cast %swap3A_117 : vector<1x16xf32> to vector<16xf32>
      %swap3A_119 = vector.shape_cast %broadcast_in_dim3A_5 : vector<16xf32> to vector<1x16xf32>
      tpu.vector_store %arg8[%swap3A_115, %swap3A_116], %swap3A_119 {strides = array<i32>} : memref<128x64xf32, #tpu.memory_space<vmem>>, vector<1x16xf32>,
      %mul3A_120 = arith.constant 8 : i32
      %mul3A_121 = arith.muli %scan3A_84, %mul3A_120 : i32
      %add3A_122 = arith.constant 1 : i32
      %add3A_123 = arith.addi %mul3A_121, %add3A_122 : i32
      %swap3A_124 = arith.index_cast %add3A_123 : i32 to index
      %swap3A_125 = arith.constant 0 : index
      %swap3A_126 = tpu.vector_load %arg8[%swap3A_124, %swap3A_125] {strides = array<i32>} : memref<128x64xf32, #tpu.memory_space<vmem>>, vector<1x16xf32>,
      %swap3A_127 = vector.shape_cast %swap3A_126 : vector<1x16xf32> to vector<16xf32>
      %swap3A_128 = vector.shape_cast %broadcast_in_dim3A_5 : vector<16xf32> to vector<1x16xf32>
      tpu.vector_store %arg8[%swap3A_124, %swap3A_125], %swap3A_128 {strides = array<i32>} : memref<128x64xf32, #tpu.memory_space<vmem>>, vector<1x16xf32>,
      %mul3A_129 = arith.constant 8 : i32
      %mul3A_130 = arith.muli %scan3A_84, %mul3A_129 : i32
      %add3A_131 = arith.constant 1 : i32
      %add3A_132 = arith.addi %mul3A_130, %add3A_131 : i32
      %swap3A_133 = arith.index_cast %add3A_132 : i32 to index
      %swap3A_134 = arith.constant 16 : index
      %swap3A_135 = tpu.vector_load %arg8[%swap3A_133, %swap3A_134] {strides = array<i32>} : memref<128x64xf32, #tpu.memory_space<vmem>>, vector<1x16xf32>,
      %swap3A_136 = vector.shape_cast %swap3A_135 : vector<1x16xf32> to vector<16xf32>
      %swap3A_137 = vector.shape_cast %broadcast_in_dim3A_5 : vector<16xf32> to vector<1x16xf32>
      tpu.vector_store %arg8[%swap3A_133, %swap3A_134], %swap3A_137 {strides = array<i32>} : memref<128x64xf32, #tpu.memory_space<vmem>>, vector<1x16xf32>,
      %mul3A_138 = arith.constant 8 : i32
      %mul3A_139 = arith.muli %scan3A_84, %mul3A_138 : i32
      %add3A_140 = arith.constant 1 : i32
      %add3A_141 = arith.addi %mul3A_139, %add3A_140 : i32
      %swap3A_142 = arith.index_cast %add3A_141 : i32 to index
      %swap3A_143 = arith.constant 32 : index
      %swap3A_144 = tpu.vector_load %arg8[%swap3A_142, %swap3A_143] {strides = array<i32>} : memref<128x64xf32, #tpu.memory_space<vmem>>, vector<1x16xf32>,
      %swap3A_145 = vector.shape_cast %swap3A_144 : vector<1x16xf32> to vector<16xf32>
      %swap3A_146 = vector.shape_cast %broadcast_in_dim3A_5 : vector<16xf32> to vector<1x16xf32>
      tpu.vector_store %arg8[%swap3A_142, %swap3A_143], %swap3A_146 {strides = array<i32>} : memref<128x64xf32, #tpu.memory_space<vmem>>, vector<1x16xf32>,
      %mul3A_147 = arith.constant 8 : i32
      %mul3A_148 = arith.muli %scan3A_84, %mul3A_147 : i32
      %add3A_149 = arith.constant 1 : i32
      %add3A_150 = arith.addi %mul3A_148, %add3A_149 : i32
      %swap3A_151 = arith.index_cast %add3A_150 : i32 to index
      %swap3A_152 = arith.constant 48 : index
      %swap3A_153 = tpu.vector_load %arg8[%swap3A_151, %swap3A_152] {strides = array<i32>} : memref<128x64xf32, #tpu.memory_space<vmem>>, vector<1x16xf32>,
      %swap3A_154 = vector.shape_cast %swap3A_153 : vector<1x16xf32> to vector<16xf32>
      %swap3A_155 = vector.shape_cast %broadcast_in_dim3A_5 : vector<16xf32> to vector<1x16xf32>
      tpu.vector_store %arg8[%swap3A_151, %swap3A_152], %swap3A_155 {strides = array<i32>} : memref<128x64xf32, #tpu.memory_space<vmem>>, vector<1x16xf32>,
      %mul3A_156 = arith.constant 8 : i32
      %mul3A_157 = arith.muli %scan3A_84, %mul3A_156 : i32
      %add3A_158 = arith.constant 2 : i32
      %add3A_159 = arith.addi %mul3A_157, %add3A_158 : i32
      %swap3A_160 = arith.index_cast %add3A_159 : i32 to index
      %swap3A_161 = arith.constant 0 : index
      %swap3A_162 = tpu.vector_load %arg8[%swap3A_160, %swap3A_161] {strides = array<i32>} : memref<128x64xf32, #tpu.memory_space<vmem>>, vector<1x16xf32>,
      %swap3A_163 = vector.shape_cast %swap3A_162 : vector<1x16xf32> to vector<16xf32>
      %swap3A_164 = vector.shape_cast %broadcast_in_dim3A_5 : vector<16xf32> to vector<1x16xf32>
      tpu.vector_store %arg8[%swap3A_160, %swap3A_161], %swap3A_164 {strides = array<i32>} : memref<128x64xf32, #tpu.memory_space<vmem>>, vector<1x16xf32>,
      %mul3A_165 = arith.constant 8 : i32
      %mul3A_166 = arith.muli %scan3A_84, %mul3A_165 : i32
      %add3A_167 = arith.constant 2 : i32
      %add3A_168 = arith.addi %mul3A_166, %add3A_167 : i32
      %swap3A_169 = arith.index_cast %add3A_168 : i32 to index
      %swap3A_170 = arith.constant 16 : index
      %swap3A_171 = tpu.vector_load %arg8[%swap3A_169, %swap3A_170] {strides = array<i32>} : memref<128x64xf32, #tpu.memory_space<vmem>>, vector<1x16xf32>,
      %swap3A_172 = vector.shape_cast %swap3A_171 : vector<1x16xf32> to vector<16xf32>
      %swap3A_173 = vector.shape_cast %broadcast_in_dim3A_5 : vector<16xf32> to vector<1x16xf32>
      tpu.vector_store %arg8[%swap3A_169, %swap3A_170], %swap3A_173 {strides = array<i32>} : memref<128x64xf32, #tpu.memory_space<vmem>>, vector<1x16xf32>,
      %mul3A_174 = arith.constant 8 : i32
      %mul3A_175 = arith.muli %scan3A_84, %mul3A_174 : i32
      %add3A_176 = arith.constant 2 : i32
      %add3A_177 = arith.addi %mul3A_175, %add3A_176 : i32
      %swap3A_178 = arith.index_cast %add3A_177 : i32 to index
      %swap3A_179 = arith.constant 32 : index
      %swap3A_180 = tpu.vector_load %arg8[%swap3A_178, %swap3A_179] {strides = array<i32>} : memref<128x64xf32, #tpu.memory_space<vmem>>, vector<1x16xf32>,
      %swap3A_181 = vector.shape_cast %swap3A_180 : vector<1x16xf32> to vector<16xf32>
      %swap3A_182 = vector.shape_cast %broadcast_in_dim3A_5 : vector<16xf32> to vector<1x16xf32>
      tpu.vector_store %arg8[%swap3A_178, %swap3A_179], %swap3A_182 {strides = array<i32>} : memref<128x64xf32, #tpu.memory_space<vmem>>, vector<1x16xf32>,
      %mul3A_183 = arith.constant 8 : i32
      %mul3A_184 = arith.muli %scan3A_84, %mul3A_183 : i32
      %add3A_185 = arith.constant 2 : i32
      %add3A_186 = arith.addi %mul3A_184, %add3A_185 : i32
      %swap3A_187 = arith.index_cast %add3A_186 : i32 to index
      %swap3A_188 = arith.constant 48 : index
      %swap3A_189 = tpu.vector_load %arg8[%swap3A_187, %swap3A_188] {strides = array<i32>} : memref<128x64xf32, #tpu.memory_space<vmem>>, vector<1x16xf32>,
      %swap3A_190 = vector.shape_cast %swap3A_189 : vector<1x16xf32> to vector<16xf32>
      %swap3A_191 = vector.shape_cast %broadcast_in_dim3A_5 : vector<16xf32> to vector<1x16xf32>
      tpu.vector_store %arg8[%swap3A_187, %swap3A_188], %swap3A_191 {strides = array<i32>} : memref<128x64xf32, #tpu.memory_space<vmem>>, vector<1x16xf32>,
      %mul3A_192 = arith.constant 8 : i32
      %mul3A_193 = arith.muli %scan3A_84, %mul3A_192 : i32
      %add3A_194 = arith.constant 3 : i32
      %add3A_195 = arith.addi %mul3A_193, %add3A_194 : i32
      %swap3A_196 = arith.index_cast %add3A_195 : i32 to index
      %swap3A_197 = arith.constant 0 : index
      %swap3A_198 = tpu.vector_load %arg8[%swap3A_196, %swap3A_197] {strides = array<i32>} : memref<128x64xf32, #tpu.memory_space<vmem>>, vector<1x16xf32>,
      %swap3A_199 = vector.shape_cast %swap3A_198 : vector<1x16xf32> to vector<16xf32>
      %swap3A_200 = vector.shape_cast %broadcast_in_dim3A_5 : vector<16xf32> to vector<1x16xf32>
      tpu.vector_store %arg8[%swap3A_196, %swap3A_197], %swap3A_200 {strides = array<i32>} : memref<128x64xf32, #tpu.memory_space<vmem>>, vector<1x16xf32>,
      %mul3A_201 = arith.constant 8 : i32
      %mul3A_202 = arith.muli %scan3A_84, %mul3A_201 : i32
      %add3A_203 = arith.constant 3 : i32
      %add3A_204 = arith.addi %mul3A_202, %add3A_203 : i32
      %swap3A_205 = arith.index_cast %add3A_204 : i32 to index
      %swap3A_206 = arith.constant 16 : index
      %swap3A_207 = tpu.vector_load %arg8[%swap3A_205, %swap3A_206] {strides = array<i32>} : memref<128x64xf32, #tpu.memory_space<vmem>>, vector<1x16xf32>,
      %swap3A_208 = vector.shape_cast %swap3A_207 : vector<1x16xf32> to vector<16xf32>
      %swap3A_209 = vector.shape_cast %broadcast_in_dim3A_5 : vector<16xf32> to vector<1x16xf32>
      tpu.vector_store %arg8[%swap3A_205, %swap3A_206], %swap3A_209 {strides = array<i32>} : memref<128x64xf32, #tpu.memory_space<vmem>>, vector<1x16xf32>,
      %mul3A_210 = arith.constant 8 : i32
      %mul3A_211 = arith.muli %scan3A_84, %mul3A_210 : i32
      %add3A_212 = arith.constant 3 : i32
      %add3A_213 = arith.addi %mul3A_211, %add3A_212 : i32
      %swap3A_214 = arith.index_cast %add3A_213 : i32 to index
      %swap3A_215 = arith.constant 32 : index
      %swap3A_216 = tpu.vector_load %arg8[%swap3A_214, %swap3A_215] {strides = array<i32>} : memref<128x64xf32, #tpu.memory_space<vmem>>, vector<1x16xf32>,
      %swap3A_217 = vector.shape_cast %swap3A_216 : vector<1x16xf32> to vector<16xf32>
      %swap3A_218 = vector.shape_cast %broadcast_in_dim3A_5 : vector<16xf32> to vector<1x16xf32>
      tpu.vector_store %arg8[%swap3A_214, %swap3A_215], %swap3A_218 {strides = array<i32>} : memref<128x64xf32, #tpu.memory_space<vmem>>, vector<1x16xf32>,
      %mul3A_219 = arith.constant 8 : i32
      %mul3A_220 = arith.muli %scan3A_84, %mul3A_219 : i32
      %add3A_221 = arith.constant 3 : i32
      %add3A_222 = arith.addi %mul3A_220, %add3A_221 : i32
      %swap3A_223 = arith.index_cast %add3A_222 : i32 to index
      %swap3A_224 = arith.constant 48 : index
      %swap3A_225 = tpu.vector_load %arg8[%swap3A_223, %swap3A_224] {strides = array<i32>} : memref<128x64xf32, #tpu.memory_space<vmem>>, vector<1x16xf32>,
      %swap3A_226 = vector.shape_cast %swap3A_225 : vector<1x16xf32> to vector<16xf32>
      %swap3A_227 = vector.shape_cast %broadcast_in_dim3A_5 : vector<16xf32> to vector<1x16xf32>
      tpu.vector_store %arg8[%swap3A_223, %swap3A_224], %swap3A_227 {strides = array<i32>} : memref<128x64xf32, #tpu.memory_space<vmem>>, vector<1x16xf32>,
      %mul3A_228 = arith.constant 8 : i32
      %mul3A_229 = arith.muli %scan3A_84, %mul3A_228 : i32
      %add3A_230 = arith.constant 4 : i32
      %add3A_231 = arith.addi %mul3A_229, %add3A_230 : i32
      %swap3A_232 = arith.index_cast %add3A_231 : i32 to index
      %swap3A_233 = arith.constant 0 : index
      %swap3A_234 = tpu.vector_load %arg8[%swap3A_232, %swap3A_233] {strides = array<i32>} : memref<128x64xf32, #tpu.memory_space<vmem>>, vector<1x16xf32>,
      %swap3A_235 = vector.shape_cast %swap3A_234 : vector<1x16xf32> to vector<16xf32>
      %swap3A_236 = vector.shape_cast %broadcast_in_dim3A_5 : vector<16xf32> to vector<1x16xf32>
      tpu.vector_store %arg8[%swap3A_232, %swap3A_233], %swap3A_236 {strides = array<i32>} : memref<128x64xf32, #tpu.memory_space<vmem>>, vector<1x16xf32>,
      %mul3A_237 = arith.constant 8 : i32
      %mul3A_238 = arith.muli %scan3A_84, %mul3A_237 : i32
      %add3A_239 = arith.constant 4 : i32
      %add3A_240 = arith.addi %mul3A_238, %add3A_239 : i32
      %swap3A_241 = arith.index_cast %add3A_240 : i32 to index
      %swap3A_242 = arith.constant 16 : index
      %swap3A_243 = tpu.vector_load %arg8[%swap3A_241, %swap3A_242] {strides = array<i32>} : memref<128x64xf32, #tpu.memory_space<vmem>>, vector<1x16xf32>,
      %swap3A_244 = vector.shape_cast %swap3A_243 : vector<1x16xf32> to vector<16xf32>
      %swap3A_245 = vector.shape_cast %broadcast_in_dim3A_5 : vector<16xf32> to vector<1x16xf32>
      tpu.vector_store %arg8[%swap3A_241, %swap3A_242], %swap3A_245 {strides = array<i32>} : memref<128x64xf32, #tpu.memory_space<vmem>>, vector<1x16xf32>,
      %mul3A_246 = arith.constant 8 : i32
      %mul3A_247 = arith.muli %scan3A_84, %mul3A_246 : i32
      %add3A_248 = arith.constant 4 : i32
      %add3A_249 = arith.addi %mul3A_247, %add3A_248 : i32
      %swap3A_250 = arith.index_cast %add3A_249 : i32 to index
      %swap3A_251 = arith.constant 32 : index
      %swap3A_252 = tpu.vector_load %arg8[%swap3A_250, %swap3A_251] {strides = array<i32>} : memref<128x64xf32, #tpu.memory_space<vmem>>, vector<1x16xf32>,
      %swap3A_253 = vector.shape_cast %swap3A_252 : vector<1x16xf32> to vector<16xf32>
      %swap3A_254 = vector.shape_cast %broadcast_in_dim3A_5 : vector<16xf32> to vector<1x16xf32>
      tpu.vector_store %arg8[%swap3A_250, %swap3A_251], %swap3A_254 {strides = array<i32>} : memref<128x64xf32, #tpu.memory_space<vmem>>, vector<1x16xf32>,
      %mul3A_255 = arith.constant 8 : i32
      %mul3A_256 = arith.muli %scan3A_84, %mul3A_255 : i32
      %add3A_257 = arith.constant 4 : i32
      %add3A_258 = arith.addi %mul3A_256, %add3A_257 : i32
      %swap3A_259 = arith.index_cast %add3A_258 : i32 to index
      %swap3A_260 = arith.constant 48 : index
      %swap3A_261 = tpu.vector_load %arg8[%swap3A_259, %swap3A_260] {strides = array<i32>} : memref<128x64xf32, #tpu.memory_space<vmem>>, vector<1x16xf32>,
      %swap3A_262 = vector.shape_cast %swap3A_261 : vector<1x16xf32> to vector<16xf32>
      %swap3A_263 = vector.shape_cast %broadcast_in_dim3A_5 : vector<16xf32> to vector<1x16xf32>
      tpu.vector_store %arg8[%swap3A_259, %swap3A_260], %swap3A_263 {strides = array<i32>} : memref<128x64xf32, #tpu.memory_space<vmem>>, vector<1x16xf32>,
      %mul3A_264 = arith.constant 8 : i32
      %mul3A_265 = arith.muli %scan3A_84, %mul3A_264 : i32
      %add3A_266 = arith.constant 5 : i32
      %add3A_267 = arith.addi %mul3A_265, %add3A_266 : i32
      %swap3A_268 = arith.index_cast %add3A_267 : i32 to index
      %swap3A_269 = arith.constant 0 : index
      %swap3A_270 = tpu.vector_load %arg8[%swap3A_268, %swap3A_269] {strides = array<i32>} : memref<128x64xf32, #tpu.memory_space<vmem>>, vector<1x16xf32>,
      %swap3A_271 = vector.shape_cast %swap3A_270 : vector<1x16xf32> to vector<16xf32>
      %swap3A_272 = vector.shape_cast %broadcast_in_dim3A_5 : vector<16xf32> to vector<1x16xf32>
      tpu.vector_store %arg8[%swap3A_268, %swap3A_269], %swap3A_272 {strides = array<i32>} : memref<128x64xf32, #tpu.memory_space<vmem>>, vector<1x16xf32>,
      %mul3A_273 = arith.constant 8 : i32
      %mul3A_274 = arith.muli %scan3A_84, %mul3A_273 : i32
      %add3A_275 = arith.constant 5 : i32
      %add3A_276 = arith.addi %mul3A_274, %add3A_275 : i32
      %swap3A_277 = arith.index_cast %add3A_276 : i32 to index
      %swap3A_278 = arith.constant 16 : index
      %swap3A_279 = tpu.vector_load %arg8[%swap3A_277, %swap3A_278] {strides = array<i32>} : memref<128x64xf32, #tpu.memory_space<vmem>>, vector<1x16xf32>,
      %swap3A_280 = vector.shape_cast %swap3A_279 : vector<1x16xf32> to vector<16xf32>
      %swap3A_281 = vector.shape_cast %broadcast_in_dim3A_5 : vector<16xf32> to vector<1x16xf32>
      tpu.vector_store %arg8[%swap3A_277, %swap3A_278], %swap3A_281 {strides = array<i32>} : memref<128x64xf32, #tpu.memory_space<vmem>>, vector<1x16xf32>,
      %mul3A_282 = arith.constant 8 : i32
      %mul3A_283 = arith.muli %scan3A_84, %mul3A_282 : i32
      %add3A_284 = arith.constant 5 : i32
      %add3A_285 = arith.addi %mul3A_283, %add3A_284 : i32
      %swap3A_286 = arith.index_cast %add3A_285 : i32 to index
      %swap3A_287 = arith.constant 32 : index
      %swap3A_288 = tpu.vector_load %arg8[%swap3A_286, %swap3A_287] {strides = array<i32>} : memref<128x64xf32, #tpu.memory_space<vmem>>, vector<1x16xf32>,
      %swap3A_289 = vector.shape_cast %swap3A_288 : vector<1x16xf32> to vector<16xf32>
      %swap3A_290 = vector.shape_cast %broadcast_in_dim3A_5 : vector<16xf32> to vector<1x16xf32>
      tpu.vector_store %arg8[%swap3A_286, %swap3A_287], %swap3A_290 {strides = array<i32>} : memref<128x64xf32, #tpu.memory_space<vmem>>, vector<1x16xf32>,
      %mul3A_291 = arith.constant 8 : i32
      %mul3A_292 = arith.muli %scan3A_84, %mul3A_291 : i32
      %add3A_293 = arith.constant 5 : i32
      %add3A_294 = arith.addi %mul3A_292, %add3A_293 : i32
      %swap3A_295 = arith.index_cast %add3A_294 : i32 to index
      %swap3A_296 = arith.constant 48 : index
      %swap3A_297 = tpu.vector_load %arg8[%swap3A_295, %swap3A_296] {strides = array<i32>} : memref<128x64xf32, #tpu.memory_space<vmem>>, vector<1x16xf32>,
      %swap3A_298 = vector.shape_cast %swap3A_297 : vector<1x16xf32> to vector<16xf32>
      %swap3A_299 = vector.shape_cast %broadcast_in_dim3A_5 : vector<16xf32> to vector<1x16xf32>
      tpu.vector_store %arg8[%swap3A_295, %swap3A_296], %swap3A_299 {strides = array<i32>} : memref<128x64xf32, #tpu.memory_space<vmem>>, vector<1x16xf32>,
      %mul3A_300 = arith.constant 8 : i32
      %mul3A_301 = arith.muli %scan3A_84, %mul3A_300 : i32
      %add3A_302 = arith.constant 6 : i32
      %add3A_303 = arith.addi %mul3A_301, %add3A_302 : i32
      %swap3A_304 = arith.index_cast %add3A_303 : i32 to index
      %swap3A_305 = arith.constant 0 : index
      %swap3A_306 = tpu.vector_load %arg8[%swap3A_304, %swap3A_305] {strides = array<i32>} : memref<128x64xf32, #tpu.memory_space<vmem>>, vector<1x16xf32>,
      %swap3A_307 = vector.shape_cast %swap3A_306 : vector<1x16xf32> to vector<16xf32>
      %swap3A_308 = vector.shape_cast %broadcast_in_dim3A_5 : vector<16xf32> to vector<1x16xf32>
      tpu.vector_store %arg8[%swap3A_304, %swap3A_305], %swap3A_308 {strides = array<i32>} : memref<128x64xf32, #tpu.memory_space<vmem>>, vector<1x16xf32>,
      %mul3A_309 = arith.constant 8 : i32
      %mul3A_310 = arith.muli %scan3A_84, %mul3A_309 : i32
      %add3A_311 = arith.constant 6 : i32
      %add3A_312 = arith.addi %mul3A_310, %add3A_311 : i32
      %swap3A_313 = arith.index_cast %add3A_312 : i32 to index
      %swap3A_314 = arith.constant 16 : index
      %swap3A_315 = tpu.vector_load %arg8[%swap3A_313, %swap3A_314] {strides = array<i32>} : memref<128x64xf32, #tpu.memory_space<vmem>>, vector<1x16xf32>,
      %swap3A_316 = vector.shape_cast %swap3A_315 : vector<1x16xf32> to vector<16xf32>
      %swap3A_317 = vector.shape_cast %broadcast_in_dim3A_5 : vector<16xf32> to vector<1x16xf32>
      tpu.vector_store %arg8[%swap3A_313, %swap3A_314], %swap3A_317 {strides = array<i32>} : memref<128x64xf32, #tpu.memory_space<vmem>>, vector<1x16xf32>,
      %mul3A_318 = arith.constant 8 : i32
      %mul3A_319 = arith.muli %scan3A_84, %mul3A_318 : i32
      %add3A_320 = arith.constant 6 : i32
      %add3A_321 = arith.addi %mul3A_319, %add3A_320 : i32
      %swap3A_322 = arith.index_cast %add3A_321 : i32 to index
      %swap3A_323 = arith.constant 32 : index
      %swap3A_324 = tpu.vector_load %arg8[%swap3A_322, %swap3A_323] {strides = array<i32>} : memref<128x64xf32, #tpu.memory_space<vmem>>, vector<1x16xf32>,
      %swap3A_325 = vector.shape_cast %swap3A_324 : vector<1x16xf32> to vector<16xf32>
      %swap3A_326 = vector.shape_cast %broadcast_in_dim3A_5 : vector<16xf32> to vector<1x16xf32>
      tpu.vector_store %arg8[%swap3A_322, %swap3A_323], %swap3A_326 {strides = array<i32>} : memref<128x64xf32, #tpu.memory_space<vmem>>, vector<1x16xf32>,
      %mul3A_327 = arith.constant 8 : i32
      %mul3A_328 = arith.muli %scan3A_84, %mul3A_327 : i32
      %add3A_329 = arith.constant 6 : i32
      %add3A_330 = arith.addi %mul3A_328, %add3A_329 : i32
      %swap3A_331 = arith.index_cast %add3A_330 : i32 to index
      %swap3A_332 = arith.constant 48 : index
      %swap3A_333 = tpu.vector_load %arg8[%swap3A_331, %swap3A_332] {strides = array<i32>} : memref<128x64xf32, #tpu.memory_space<vmem>>, vector<1x16xf32>,
      %swap3A_334 = vector.shape_cast %swap3A_333 : vector<1x16xf32> to vector<16xf32>
      %swap3A_335 = vector.shape_cast %broadcast_in_dim3A_5 : vector<16xf32> to vector<1x16xf32>
      tpu.vector_store %arg8[%swap3A_331, %swap3A_332], %swap3A_335 {strides = array<i32>} : memref<128x64xf32, #tpu.memory_space<vmem>>, vector<1x16xf32>,
      %mul3A_336 = arith.constant 8 : i32
      %mul3A_337 = arith.muli %scan3A_84, %mul3A_336 : i32
      %add3A_338 = arith.constant 7 : i32
      %add3A_339 = arith.addi %mul3A_337, %add3A_338 : i32
      %swap3A_340 = arith.index_cast %add3A_339 : i32 to index
      %swap3A_341 = arith.constant 0 : index
      %swap3A_342 = tpu.vector_load %arg8[%swap3A_340, %swap3A_341] {strides = array<i32>} : memref<128x64xf32, #tpu.memory_space<vmem>>, vector<1x16xf32>,
      %swap3A_343 = vector.shape_cast %swap3A_342 : vector<1x16xf32> to vector<16xf32>
      %swap3A_344 = vector.shape_cast %broadcast_in_dim3A_5 : vector<16xf32> to vector<1x16xf32>
      tpu.vector_store %arg8[%swap3A_340, %swap3A_341], %swap3A_344 {strides = array<i32>} : memref<128x64xf32, #tpu.memory_space<vmem>>, vector<1x16xf32>,
      %mul3A_345 = arith.constant 8 : i32
      %mul3A_346 = arith.muli %scan3A_84, %mul3A_345 : i32
      %add3A_347 = arith.constant 7 : i32
      %add3A_348 = arith.addi %mul3A_346, %add3A_347 : i32
      %swap3A_349 = arith.index_cast %add3A_348 : i32 to index
      %swap3A_350 = arith.constant 16 : index
      %swap3A_351 = tpu.vector_load %arg8[%swap3A_349, %swap3A_350] {strides = array<i32>} : memref<128x64xf32, #tpu.memory_space<vmem>>, vector<1x16xf32>,
      %swap3A_352 = vector.shape_cast %swap3A_351 : vector<1x16xf32> to vector<16xf32>
      %swap3A_353 = vector.shape_cast %broadcast_in_dim3A_5 : vector<16xf32> to vector<1x16xf32>
      tpu.vector_store %arg8[%swap3A_349, %swap3A_350], %swap3A_353 {strides = array<i32>} : memref<128x64xf32, #tpu.memory_space<vmem>>, vector<1x16xf32>,
      %mul3A_354 = arith.constant 8 : i32
      %mul3A_355 = arith.muli %scan3A_84, %mul3A_354 : i32
      %add3A_356 = arith.constant 7 : i32
      %add3A_357 = arith.addi %mul3A_355, %add3A_356 : i32
      %swap3A_358 = arith.index_cast %add3A_357 : i32 to index
      %swap3A_359 = arith.constant 32 : index
      %swap3A_360 = tpu.vector_load %arg8[%swap3A_358, %swap3A_359] {strides = array<i32>} : memref<128x64xf32, #tpu.memory_space<vmem>>, vector<1x16xf32>,
      %swap3A_361 = vector.shape_cast %swap3A_360 : vector<1x16xf32> to vector<16xf32>
      %swap3A_362 = vector.shape_cast %broadcast_in_dim3A_5 : vector<16xf32> to vector<1x16xf32>
      tpu.vector_store %arg8[%swap3A_358, %swap3A_359], %swap3A_362 {strides = array<i32>} : memref<128x64xf32, #tpu.memory_space<vmem>>, vector<1x16xf32>,
      %mul3A_363 = arith.constant 8 : i32
      %mul3A_364 = arith.muli %scan3A_84, %mul3A_363 : i32
      %add3A_365 = arith.constant 7 : i32
      %add3A_366 = arith.addi %mul3A_364, %add3A_365 : i32
      %swap3A_367 = arith.index_cast %add3A_366 : i32 to index
      %swap3A_368 = arith.constant 48 : index
      %swap3A_369 = tpu.vector_load %arg8[%swap3A_367, %swap3A_368] {strides = array<i32>} : memref<128x64xf32, #tpu.memory_space<vmem>>, vector<1x16xf32>,
      %swap3A_370 = vector.shape_cast %swap3A_369 : vector<1x16xf32> to vector<16xf32>
      %swap3A_371 = vector.shape_cast %broadcast_in_dim3A_5 : vector<16xf32> to vector<1x16xf32>
      tpu.vector_store %arg8[%swap3A_367, %swap3A_368], %swap3A_371 {strides = array<i32>} : memref<128x64xf32, #tpu.memory_space<vmem>>, vector<1x16xf32>,
    }
    %scan3A_18 = arith.constant 16 : i32
    %mul3A_19 = arith.constant 128 : i32
    %mul3A_20 = arith.muli %arg1, %mul3A_19 : i32
    "tpu.region"() ({
      %run_scoped3A = tpu.sem_alloc : memref<!tpu.dma_semaphore, #tpu.memory_space<semaphore_mem>>
      %dma_start3A_84 = arith.constant 0 : i32
      %dma_start3A_85 = tpu.memref_slice %arg9[%mul3A_20, %dma_start3A_84] : memref<2048x64xf32, #tpu.memory_space<vmem_shared>> -> memref<128x64xf32, #tpu.memory_space<vmem_shared>>
      %dma_start3A_86 = arith.constant 0 : i32
      %dma_start3A_87 = tpu.memref_slice %arg9[%mul3A_20, %dma_start3A_86] : memref<2048x64xf32, #tpu.memory_space<vmem_shared>> -> memref<128x64xf32, #tpu.memory_space<vmem_shared>>
      tpu.enqueue_dma source(%arg8 : memref<128x64xf32, #tpu.memory_space<vmem>>) target(%dma_start3A_87 : memref<128x64xf32, #tpu.memory_space<vmem_shared>>) target_semaphore(%run_scoped3A : memref<!tpu.dma_semaphore, #tpu.memory_space<semaphore_mem>>)
      %dma_wait3A = arith.constant 0 : i32
      %dma_wait3A_88 = tpu.memref_slice %arg9[%mul3A_20, %dma_wait3A] : memref<2048x64xf32, #tpu.memory_space<vmem_shared>> -> memref<128x64xf32, #tpu.memory_space<vmem_shared>>
      %dma_wait3A_89 = arith.constant 0 : i32
      %dma_wait3A_90 = tpu.memref_slice %arg9[%mul3A_20, %dma_wait3A_89] : memref<2048x64xf32, #tpu.memory_space<vmem_shared>> -> memref<128x64xf32, #tpu.memory_space<vmem_shared>>
      tpu.wait_dma2 semaphore(%run_scoped3A : memref<!tpu.dma_semaphore, #tpu.memory_space<semaphore_mem>>) src(%arg8 : memref<128x64xf32, #tpu.memory_space<vmem>>) dst(%dma_wait3A_90 : memref<128x64xf32, #tpu.memory_space<vmem_shared>>)
      tpu.yield
    }) : () -> ()
    %dma_start3A = arith.constant 0 : i32
    %dma_start3A_21 = arith.constant 0 : i32
    %dma_start3A_22 = arith.constant 0 : i32
    %dma_start3A_23 = arith.constant 0 : i32
    %dma_start3A_24 = tpu.memref_slice %arg7[%dma_start3A_21, %dma_start3A_22, %dma_start3A_23] : memref<4x50x64xf32, #tpu.memory_space<vmem>> -> memref<1x50x64xf32, #tpu.memory_space<vmem>>
    %dma_start3A_25 = tpu.memref_squeeze %dma_start3A_24 : memref<1x50x64xf32, #tpu.memory_space<vmem>> -> memref<50x64xf32, #tpu.memory_space<vmem>>
    %dma_start3A_26 = arith.constant 0 : i32
    %dma_start3A_27 = tpu.memref_slice %arg5[%dma_start3A, %dma_start3A_26] : memref<128x50xi32, #tpu.memory_space<vmem>> -> memref<1x50xi32, #tpu.memory_space<vmem>>
    %dma_start3A_28 = tpu.memref_squeeze %dma_start3A_27 : memref<1x50xi32, #tpu.memory_space<vmem>> -> memref<50xi32, #tpu.memory_space<vmem>>
    %dma_start3A_29 = arith.constant 0 : i32
    %dma_start3A_30 = arith.constant 0 : i32
    %dma_start3A_31 = tpu.memref_slice %arg2[%dma_start3A_29, %dma_start3A_30] : memref<100000x64xf32, #tpu.memory_space<hbm>> -> memref<100000x64xf32, #tpu.memory_space<hbm>>
    tpu.enqueue_indirect_dma source(%dma_start3A_31 : memref<100000x64xf32, #tpu.memory_space<hbm>>) target(%dma_start3A_25 : memref<50x64xf32, #tpu.memory_space<vmem>>) offsets(%dma_start3A_28 : memref<50xi32, #tpu.memory_space<vmem>>) semaphore(%arg10 : memref<!tpu.dma_semaphore, #tpu.memory_space<semaphore_mem>>)
    %dma_start3A_32 = arith.constant 1 : i32
    %dma_start3A_33 = arith.constant 1 : i32
    %dma_start3A_34 = arith.constant 0 : i32
    %dma_start3A_35 = arith.constant 0 : i32
    %dma_start3A_36 = tpu.memref_slice %arg7[%dma_start3A_33, %dma_start3A_34, %dma_start3A_35] : memref<4x50x64xf32, #tpu.memory_space<vmem>> -> memref<1x50x64xf32, #tpu.memory_space<vmem>>
    %dma_start3A_37 = tpu.memref_squeeze %dma_start3A_36 : memref<1x50x64xf32, #tpu.memory_space<vmem>> -> memref<50x64xf32, #tpu.memory_space<vmem>>
    %dma_start3A_38 = arith.constant 0 : i32
    %dma_start3A_39 = tpu.memref_slice %arg5[%dma_start3A_32, %dma_start3A_38] : memref<128x50xi32, #tpu.memory_space<vmem>> -> memref<1x50xi32, #tpu.memory_space<vmem>>
    %dma_start3A_40 = tpu.memref_squeeze %dma_start3A_39 : memref<1x50xi32, #tpu.memory_space<vmem>> -> memref<50xi32, #tpu.memory_space<vmem>>
    %dma_start3A_41 = arith.constant 0 : i32
    %dma_start3A_42 = arith.constant 0 : i32
    %dma_start3A_43 = tpu.memref_slice %arg2[%dma_start3A_41, %dma_start3A_42] : memref<100000x64xf32, #tpu.memory_space<hbm>> -> memref<100000x64xf32, #tpu.memory_space<hbm>>
    tpu.enqueue_indirect_dma source(%dma_start3A_43 : memref<100000x64xf32, #tpu.memory_space<hbm>>) target(%dma_start3A_37 : memref<50x64xf32, #tpu.memory_space<vmem>>) offsets(%dma_start3A_40 : memref<50xi32, #tpu.memory_space<vmem>>) semaphore(%arg11 : memref<!tpu.dma_semaphore, #tpu.memory_space<semaphore_mem>>)
    %dma_start3A_44 = arith.constant 2 : i32
    %dma_start3A_45 = arith.constant 2 : i32
    %dma_start3A_46 = arith.constant 0 : i32
    %dma_start3A_47 = arith.constant 0 : i32
    %dma_start3A_48 = tpu.memref_slice %arg7[%dma_start3A_45, %dma_start3A_46, %dma_start3A_47] : memref<4x50x64xf32, #tpu.memory_space<vmem>> -> memref<1x50x64xf32, #tpu.memory_space<vmem>>
    %dma_start3A_49 = tpu.memref_squeeze %dma_start3A_48 : memref<1x50x64xf32, #tpu.memory_space<vmem>> -> memref<50x64xf32, #tpu.memory_space<vmem>>
    %dma_start3A_50 = arith.constant 0 : i32
    %dma_start3A_51 = tpu.memref_slice %arg5[%dma_start3A_44, %dma_start3A_50] : memref<128x50xi32, #tpu.memory_space<vmem>> -> memref<1x50xi32, #tpu.memory_space<vmem>>
    %dma_start3A_52 = tpu.memref_squeeze %dma_start3A_51 : memref<1x50xi32, #tpu.memory_space<vmem>> -> memref<50xi32, #tpu.memory_space<vmem>>
    %dma_start3A_53 = arith.constant 0 : i32
    %dma_start3A_54 = arith.constant 0 : i32
    %dma_start3A_55 = tpu.memref_slice %arg2[%dma_start3A_53, %dma_start3A_54] : memref<100000x64xf32, #tpu.memory_space<hbm>> -> memref<100000x64xf32, #tpu.memory_space<hbm>>
    tpu.enqueue_indirect_dma source(%dma_start3A_55 : memref<100000x64xf32, #tpu.memory_space<hbm>>) target(%dma_start3A_49 : memref<50x64xf32, #tpu.memory_space<vmem>>) offsets(%dma_start3A_52 : memref<50xi32, #tpu.memory_space<vmem>>) semaphore(%arg12 : memref<!tpu.dma_semaphore, #tpu.memory_space<semaphore_mem>>)
    %dma_start3A_56 = arith.constant 3 : i32
    %dma_start3A_57 = arith.constant 3 : i32
    %dma_start3A_58 = arith.constant 0 : i32
    %dma_start3A_59 = arith.constant 0 : i32
    %dma_start3A_60 = tpu.memref_slice %arg7[%dma_start3A_57, %dma_start3A_58, %dma_start3A_59] : memref<4x50x64xf32, #tpu.memory_space<vmem>> -> memref<1x50x64xf32, #tpu.memory_space<vmem>>
    %dma_start3A_61 = tpu.memref_squeeze %dma_start3A_60 : memref<1x50x64xf32, #tpu.memory_space<vmem>> -> memref<50x64xf32, #tpu.memory_space<vmem>>
    %dma_start3A_62 = arith.constant 0 : i32
    %dma_start3A_63 = tpu.memref_slice %arg5[%dma_start3A_56, %dma_start3A_62] : memref<128x50xi32, #tpu.memory_space<vmem>> -> memref<1x50xi32, #tpu.memory_space<vmem>>
    %dma_start3A_64 = tpu.memref_squeeze %dma_start3A_63 : memref<1x50xi32, #tpu.memory_space<vmem>> -> memref<50xi32, #tpu.memory_space<vmem>>
    %dma_start3A_65 = arith.constant 0 : i32
    %dma_start3A_66 = arith.constant 0 : i32
    %dma_start3A_67 = tpu.memref_slice %arg2[%dma_start3A_65, %dma_start3A_66] : memref<100000x64xf32, #tpu.memory_space<hbm>> -> memref<100000x64xf32, #tpu.memory_space<hbm>>
    tpu.enqueue_indirect_dma source(%dma_start3A_67 : memref<100000x64xf32, #tpu.memory_space<hbm>>) target(%dma_start3A_61 : memref<50x64xf32, #tpu.memory_space<vmem>>) offsets(%dma_start3A_64 : memref<50xi32, #tpu.memory_space<vmem>>) semaphore(%arg13 : memref<!tpu.dma_semaphore, #tpu.memory_space<semaphore_mem>>)
    %scan3A_68 = arith.constant 0 : i32
    %scan3A_69 = arith.constant 0 : i32
    %scan3A_70 = arith.constant 32 : i32
    %scan3A_71 = arith.addi %scan3A_69, %scan3A_70 : i32
    %scan3A_72 = arith.constant 1 : i32
    scf.for %scan3A_84 = %scan3A_69 to %scan3A_71 step %scan3A_72  : i32 {
      %mul3A_85 = arith.constant 4 : i32
      %mul3A_86 = arith.muli %scan3A_84, %mul3A_85 : i32
      %add3A_87 = arith.constant 0 : i32
      %add3A_88 = arith.addi %mul3A_86, %add3A_87 : i32
      %dma_wait3A = arith.constant 0 : i32
      %dma_wait3A_89 = arith.constant 0 : i32
      %dma_wait3A_90 = arith.constant 0 : i32
      %dma_wait3A_91 = tpu.memref_slice %arg7[%dma_wait3A, %dma_wait3A_89, %dma_wait3A_90] : memref<4x50x64xf32, #tpu.memory_space<vmem>> -> memref<1x50x64xf32, #tpu.memory_space<vmem>>
      %dma_wait3A_92 = tpu.memref_squeeze %dma_wait3A_91 : memref<1x50x64xf32, #tpu.memory_space<vmem>> -> memref<50x64xf32, #tpu.memory_space<vmem>>
      %dma_wait3A_93 = arith.constant 0 : i32
      %dma_wait3A_94 = tpu.memref_slice %arg5[%add3A_88, %dma_wait3A_93] : memref<128x50xi32, #tpu.memory_space<vmem>> -> memref<1x50xi32, #tpu.memory_space<vmem>>
      %dma_wait3A_95 = tpu.memref_squeeze %dma_wait3A_94 : memref<1x50xi32, #tpu.memory_space<vmem>> -> memref<50xi32, #tpu.memory_space<vmem>>
      %dma_wait3A_96 = arith.constant 0 : i32
      %dma_wait3A_97 = arith.constant 0 : i32
      %dma_wait3A_98 = tpu.memref_slice %arg2[%dma_wait3A_96, %dma_wait3A_97] : memref<100000x64xf32, #tpu.memory_space<hbm>> -> memref<100000x64xf32, #tpu.memory_space<hbm>>
      tpu.wait_indirect_dma semaphore(%arg10 : memref<!tpu.dma_semaphore, #tpu.memory_space<semaphore_mem>>) src(%dma_wait3A_98 : memref<100000x64xf32, #tpu.memory_space<hbm>>) dst(%dma_wait3A_92 : memref<50x64xf32, #tpu.memory_space<vmem>>)
      %mul3A_99 = arith.constant 56 : i32
      %mul3A_100 = arith.muli %add3A_88, %mul3A_99 : i32
      %dma_start3A_101 = arith.constant 0 : i32
      %dma_start3A_102 = arith.constant 0 : i32
      %dma_start3A_103 = arith.constant 0 : i32
      %dma_start3A_104 = tpu.memref_slice %arg7[%dma_start3A_101, %dma_start3A_102, %dma_start3A_103] : memref<4x50x64xf32, #tpu.memory_space<vmem>> -> memref<1x50x64xf32, #tpu.memory_space<vmem>>
      %dma_start3A_105 = tpu.memref_squeeze %dma_start3A_104 : memref<1x50x64xf32, #tpu.memory_space<vmem>> -> memref<50x64xf32, #tpu.memory_space<vmem>>
      %dma_start3A_106 = tpu.memref_slice %arg6[%mul3A_100] : memref<7184xi32, #tpu.memory_space<vmem>> -> memref<50xi32, #tpu.memory_space<vmem>>
      %dma_start3A_107 = arith.constant 0 : i32
      %dma_start3A_108 = arith.constant 0 : i32
      %dma_start3A_109 = tpu.memref_slice %arg9[%dma_start3A_107, %dma_start3A_108] : memref<2048x64xf32, #tpu.memory_space<vmem_shared>> -> memref<2048x64xf32, #tpu.memory_space<vmem_shared>>
      tpu.enqueue_indirect_dma source(%dma_start3A_105 : memref<50x64xf32, #tpu.memory_space<vmem>>) target(%dma_start3A_109 : memref<2048x64xf32, #tpu.memory_space<vmem_shared>>) offsets(%dma_start3A_106 : memref<50xi32, #tpu.memory_space<vmem>>) semaphore(%arg14 : memref<!tpu.dma_semaphore, #tpu.memory_space<semaphore_mem>>) {add = true}
      %dma_wait3A_110 = arith.constant 0 : i32
      %dma_wait3A_111 = arith.constant 0 : i32
      %dma_wait3A_112 = arith.constant 0 : i32
      %dma_wait3A_113 = tpu.memref_slice %arg7[%dma_wait3A_110, %dma_wait3A_111, %dma_wait3A_112] : memref<4x50x64xf32, #tpu.memory_space<vmem>> -> memref<1x50x64xf32, #tpu.memory_space<vmem>>
      %dma_wait3A_114 = tpu.memref_squeeze %dma_wait3A_113 : memref<1x50x64xf32, #tpu.memory_space<vmem>> -> memref<50x64xf32, #tpu.memory_space<vmem>>
      %dma_wait3A_115 = tpu.memref_slice %arg6[%mul3A_100] : memref<7184xi32, #tpu.memory_space<vmem>> -> memref<50xi32, #tpu.memory_space<vmem>>
      %dma_wait3A_116 = arith.constant 0 : i32
      %dma_wait3A_117 = arith.constant 0 : i32
      %dma_wait3A_118 = tpu.memref_slice %arg9[%dma_wait3A_116, %dma_wait3A_117] : memref<2048x64xf32, #tpu.memory_space<vmem_shared>> -> memref<2048x64xf32, #tpu.memory_space<vmem_shared>>
      tpu.wait_indirect_dma semaphore(%arg14 : memref<!tpu.dma_semaphore, #tpu.memory_space<semaphore_mem>>) src(%dma_wait3A_114 : memref<50x64xf32, #tpu.memory_space<vmem>>) dst(%dma_wait3A_118 : memref<2048x64xf32, #tpu.memory_space<vmem_shared>>)
      %add3A_119 = arith.constant 4 : i32
      %add3A_120 = arith.addi %add3A_88, %add3A_119 : i32
      %lt3A = arith.constant 128 : i32
      %lt3A_121 = arith.cmpi slt, %add3A_120, %lt3A : i32
      %convert_element_type3A = arith.extui %lt3A_121 : i1 to i32
      %cond3A = arith.constant 0 : i32
      %cond3A_122 = arith.cmpi ne, %convert_element_type3A, %cond3A : i32
      scf.if %cond3A_122 {
        %add3A_249 = arith.constant 4 : i32
        %add3A_250 = arith.addi %add3A_88, %add3A_249 : i32
        %dma_start3A_251 = arith.constant 0 : i32
        %dma_start3A_252 = arith.constant 0 : i32
        %dma_start3A_253 = arith.constant 0 : i32
        %dma_start3A_254 = tpu.memref_slice %arg7[%dma_start3A_251, %dma_start3A_252, %dma_start3A_253] : memref<4x50x64xf32, #tpu.memory_space<vmem>> -> memref<1x50x64xf32, #tpu.memory_space<vmem>>
        %dma_start3A_255 = tpu.memref_squeeze %dma_start3A_254 : memref<1x50x64xf32, #tpu.memory_space<vmem>> -> memref<50x64xf32, #tpu.memory_space<vmem>>
        %dma_start3A_256 = arith.constant 0 : i32
        %dma_start3A_257 = tpu.memref_slice %arg5[%add3A_250, %dma_start3A_256] : memref<128x50xi32, #tpu.memory_space<vmem>> -> memref<1x50xi32, #tpu.memory_space<vmem>>
        %dma_start3A_258 = tpu.memref_squeeze %dma_start3A_257 : memref<1x50xi32, #tpu.memory_space<vmem>> -> memref<50xi32, #tpu.memory_space<vmem>>
        %dma_start3A_259 = arith.constant 0 : i32
        %dma_start3A_260 = arith.constant 0 : i32
        %dma_start3A_261 = tpu.memref_slice %arg2[%dma_start3A_259, %dma_start3A_260] : memref<100000x64xf32, #tpu.memory_space<hbm>> -> memref<100000x64xf32, #tpu.memory_space<hbm>>
        tpu.enqueue_indirect_dma source(%dma_start3A_261 : memref<100000x64xf32, #tpu.memory_space<hbm>>) target(%dma_start3A_255 : memref<50x64xf32, #tpu.memory_space<vmem>>) offsets(%dma_start3A_258 : memref<50xi32, #tpu.memory_space<vmem>>) semaphore(%arg10 : memref<!tpu.dma_semaphore, #tpu.memory_space<semaphore_mem>>)
      } else {
      }
      %mul3A_123 = arith.constant 4 : i32
      %mul3A_124 = arith.muli %scan3A_84, %mul3A_123 : i32
      %add3A_125 = arith.constant 1 : i32
      %add3A_126 = arith.addi %mul3A_124, %add3A_125 : i32
      %dma_wait3A_127 = arith.constant 1 : i32
      %dma_wait3A_128 = arith.constant 0 : i32
      %dma_wait3A_129 = arith.constant 0 : i32
      %dma_wait3A_130 = tpu.memref_slice %arg7[%dma_wait3A_127, %dma_wait3A_128, %dma_wait3A_129] : memref<4x50x64xf32, #tpu.memory_space<vmem>> -> memref<1x50x64xf32, #tpu.memory_space<vmem>>
      %dma_wait3A_131 = tpu.memref_squeeze %dma_wait3A_130 : memref<1x50x64xf32, #tpu.memory_space<vmem>> -> memref<50x64xf32, #tpu.memory_space<vmem>>
      %dma_wait3A_132 = arith.constant 0 : i32
      %dma_wait3A_133 = tpu.memref_slice %arg5[%add3A_126, %dma_wait3A_132] : memref<128x50xi32, #tpu.memory_space<vmem>> -> memref<1x50xi32, #tpu.memory_space<vmem>>
      %dma_wait3A_134 = tpu.memref_squeeze %dma_wait3A_133 : memref<1x50xi32, #tpu.memory_space<vmem>> -> memref<50xi32, #tpu.memory_space<vmem>>
      %dma_wait3A_135 = arith.constant 0 : i32
      %dma_wait3A_136 = arith.constant 0 : i32
      %dma_wait3A_137 = tpu.memref_slice %arg2[%dma_wait3A_135, %dma_wait3A_136] : memref<100000x64xf32, #tpu.memory_space<hbm>> -> memref<100000x64xf32, #tpu.memory_space<hbm>>
      tpu.wait_indirect_dma semaphore(%arg11 : memref<!tpu.dma_semaphore, #tpu.memory_space<semaphore_mem>>) src(%dma_wait3A_137 : memref<100000x64xf32, #tpu.memory_space<hbm>>) dst(%dma_wait3A_131 : memref<50x64xf32, #tpu.memory_space<vmem>>)
      %mul3A_138 = arith.constant 56 : i32
      %mul3A_139 = arith.muli %add3A_126, %mul3A_138 : i32
      %dma_start3A_140 = arith.constant 1 : i32
      %dma_start3A_141 = arith.constant 0 : i32
      %dma_start3A_142 = arith.constant 0 : i32
      %dma_start3A_143 = tpu.memref_slice %arg7[%dma_start3A_140, %dma_start3A_141, %dma_start3A_142] : memref<4x50x64xf32, #tpu.memory_space<vmem>> -> memref<1x50x64xf32, #tpu.memory_space<vmem>>
      %dma_start3A_144 = tpu.memref_squeeze %dma_start3A_143 : memref<1x50x64xf32, #tpu.memory_space<vmem>> -> memref<50x64xf32, #tpu.memory_space<vmem>>
      %dma_start3A_145 = tpu.memref_slice %arg6[%mul3A_139] : memref<7184xi32, #tpu.memory_space<vmem>> -> memref<50xi32, #tpu.memory_space<vmem>>
      %dma_start3A_146 = arith.constant 0 : i32
      %dma_start3A_147 = arith.constant 0 : i32
      %dma_start3A_148 = tpu.memref_slice %arg9[%dma_start3A_146, %dma_start3A_147] : memref<2048x64xf32, #tpu.memory_space<vmem_shared>> -> memref<2048x64xf32, #tpu.memory_space<vmem_shared>>
      tpu.enqueue_indirect_dma source(%dma_start3A_144 : memref<50x64xf32, #tpu.memory_space<vmem>>) target(%dma_start3A_148 : memref<2048x64xf32, #tpu.memory_space<vmem_shared>>) offsets(%dma_start3A_145 : memref<50xi32, #tpu.memory_space<vmem>>) semaphore(%arg14 : memref<!tpu.dma_semaphore, #tpu.memory_space<semaphore_mem>>) {add = true}
      %dma_wait3A_149 = arith.constant 1 : i32
      %dma_wait3A_150 = arith.constant 0 : i32
      %dma_wait3A_151 = arith.constant 0 : i32
      %dma_wait3A_152 = tpu.memref_slice %arg7[%dma_wait3A_149, %dma_wait3A_150, %dma_wait3A_151] : memref<4x50x64xf32, #tpu.memory_space<vmem>> -> memref<1x50x64xf32, #tpu.memory_space<vmem>>
      %dma_wait3A_153 = tpu.memref_squeeze %dma_wait3A_152 : memref<1x50x64xf32, #tpu.memory_space<vmem>> -> memref<50x64xf32, #tpu.memory_space<vmem>>
      %dma_wait3A_154 = tpu.memref_slice %arg6[%mul3A_139] : memref<7184xi32, #tpu.memory_space<vmem>> -> memref<50xi32, #tpu.memory_space<vmem>>
      %dma_wait3A_155 = arith.constant 0 : i32
      %dma_wait3A_156 = arith.constant 0 : i32
      %dma_wait3A_157 = tpu.memref_slice %arg9[%dma_wait3A_155, %dma_wait3A_156] : memref<2048x64xf32, #tpu.memory_space<vmem_shared>> -> memref<2048x64xf32, #tpu.memory_space<vmem_shared>>
      tpu.wait_indirect_dma semaphore(%arg14 : memref<!tpu.dma_semaphore, #tpu.memory_space<semaphore_mem>>) src(%dma_wait3A_153 : memref<50x64xf32, #tpu.memory_space<vmem>>) dst(%dma_wait3A_157 : memref<2048x64xf32, #tpu.memory_space<vmem_shared>>)
      %add3A_158 = arith.constant 4 : i32
      %add3A_159 = arith.addi %add3A_126, %add3A_158 : i32
      %lt3A_160 = arith.constant 128 : i32
      %lt3A_161 = arith.cmpi slt, %add3A_159, %lt3A_160 : i32
      %convert_element_type3A_162 = arith.extui %lt3A_161 : i1 to i32
      %cond3A_163 = arith.constant 0 : i32
      %cond3A_164 = arith.cmpi ne, %convert_element_type3A_162, %cond3A_163 : i32
      scf.if %cond3A_164 {
        %add3A_249 = arith.constant 4 : i32
        %add3A_250 = arith.addi %add3A_126, %add3A_249 : i32
        %dma_start3A_251 = arith.constant 1 : i32
        %dma_start3A_252 = arith.constant 0 : i32
        %dma_start3A_253 = arith.constant 0 : i32
        %dma_start3A_254 = tpu.memref_slice %arg7[%dma_start3A_251, %dma_start3A_252, %dma_start3A_253] : memref<4x50x64xf32, #tpu.memory_space<vmem>> -> memref<1x50x64xf32, #tpu.memory_space<vmem>>
        %dma_start3A_255 = tpu.memref_squeeze %dma_start3A_254 : memref<1x50x64xf32, #tpu.memory_space<vmem>> -> memref<50x64xf32, #tpu.memory_space<vmem>>
        %dma_start3A_256 = arith.constant 0 : i32
        %dma_start3A_257 = tpu.memref_slice %arg5[%add3A_250, %dma_start3A_256] : memref<128x50xi32, #tpu.memory_space<vmem>> -> memref<1x50xi32, #tpu.memory_space<vmem>>
        %dma_start3A_258 = tpu.memref_squeeze %dma_start3A_257 : memref<1x50xi32, #tpu.memory_space<vmem>> -> memref<50xi32, #tpu.memory_space<vmem>>
        %dma_start3A_259 = arith.constant 0 : i32
        %dma_start3A_260 = arith.constant 0 : i32
        %dma_start3A_261 = tpu.memref_slice %arg2[%dma_start3A_259, %dma_start3A_260] : memref<100000x64xf32, #tpu.memory_space<hbm>> -> memref<100000x64xf32, #tpu.memory_space<hbm>>
        tpu.enqueue_indirect_dma source(%dma_start3A_261 : memref<100000x64xf32, #tpu.memory_space<hbm>>) target(%dma_start3A_255 : memref<50x64xf32, #tpu.memory_space<vmem>>) offsets(%dma_start3A_258 : memref<50xi32, #tpu.memory_space<vmem>>) semaphore(%arg11 : memref<!tpu.dma_semaphore, #tpu.memory_space<semaphore_mem>>)
      } else {
      }
      %mul3A_165 = arith.constant 4 : i32
      %mul3A_166 = arith.muli %scan3A_84, %mul3A_165 : i32
      %add3A_167 = arith.constant 2 : i32
      %add3A_168 = arith.addi %mul3A_166, %add3A_167 : i32
      %dma_wait3A_169 = arith.constant 2 : i32
      %dma_wait3A_170 = arith.constant 0 : i32
      %dma_wait3A_171 = arith.constant 0 : i32
      %dma_wait3A_172 = tpu.memref_slice %arg7[%dma_wait3A_169, %dma_wait3A_170, %dma_wait3A_171] : memref<4x50x64xf32, #tpu.memory_space<vmem>> -> memref<1x50x64xf32, #tpu.memory_space<vmem>>
      %dma_wait3A_173 = tpu.memref_squeeze %dma_wait3A_172 : memref<1x50x64xf32, #tpu.memory_space<vmem>> -> memref<50x64xf32, #tpu.memory_space<vmem>>
      %dma_wait3A_174 = arith.constant 0 : i32
      %dma_wait3A_175 = tpu.memref_slice %arg5[%add3A_168, %dma_wait3A_174] : memref<128x50xi32, #tpu.memory_space<vmem>> -> memref<1x50xi32, #tpu.memory_space<vmem>>
      %dma_wait3A_176 = tpu.memref_squeeze %dma_wait3A_175 : memref<1x50xi32, #tpu.memory_space<vmem>> -> memref<50xi32, #tpu.memory_space<vmem>>
      %dma_wait3A_177 = arith.constant 0 : i32
      %dma_wait3A_178 = arith.constant 0 : i32
      %dma_wait3A_179 = tpu.memref_slice %arg2[%dma_wait3A_177, %dma_wait3A_178] : memref<100000x64xf32, #tpu.memory_space<hbm>> -> memref<100000x64xf32, #tpu.memory_space<hbm>>
      tpu.wait_indirect_dma semaphore(%arg12 : memref<!tpu.dma_semaphore, #tpu.memory_space<semaphore_mem>>) src(%dma_wait3A_179 : memref<100000x64xf32, #tpu.memory_space<hbm>>) dst(%dma_wait3A_173 : memref<50x64xf32, #tpu.memory_space<vmem>>)
      %mul3A_180 = arith.constant 56 : i32
      %mul3A_181 = arith.muli %add3A_168, %mul3A_180 : i32
      %dma_start3A_182 = arith.constant 2 : i32
      %dma_start3A_183 = arith.constant 0 : i32
      %dma_start3A_184 = arith.constant 0 : i32
      %dma_start3A_185 = tpu.memref_slice %arg7[%dma_start3A_182, %dma_start3A_183, %dma_start3A_184] : memref<4x50x64xf32, #tpu.memory_space<vmem>> -> memref<1x50x64xf32, #tpu.memory_space<vmem>>
      %dma_start3A_186 = tpu.memref_squeeze %dma_start3A_185 : memref<1x50x64xf32, #tpu.memory_space<vmem>> -> memref<50x64xf32, #tpu.memory_space<vmem>>
      %dma_start3A_187 = tpu.memref_slice %arg6[%mul3A_181] : memref<7184xi32, #tpu.memory_space<vmem>> -> memref<50xi32, #tpu.memory_space<vmem>>
      %dma_start3A_188 = arith.constant 0 : i32
      %dma_start3A_189 = arith.constant 0 : i32
      %dma_start3A_190 = tpu.memref_slice %arg9[%dma_start3A_188, %dma_start3A_189] : memref<2048x64xf32, #tpu.memory_space<vmem_shared>> -> memref<2048x64xf32, #tpu.memory_space<vmem_shared>>
      tpu.enqueue_indirect_dma source(%dma_start3A_186 : memref<50x64xf32, #tpu.memory_space<vmem>>) target(%dma_start3A_190 : memref<2048x64xf32, #tpu.memory_space<vmem_shared>>) offsets(%dma_start3A_187 : memref<50xi32, #tpu.memory_space<vmem>>) semaphore(%arg14 : memref<!tpu.dma_semaphore, #tpu.memory_space<semaphore_mem>>) {add = true}
      %dma_wait3A_191 = arith.constant 2 : i32
      %dma_wait3A_192 = arith.constant 0 : i32
      %dma_wait3A_193 = arith.constant 0 : i32
      %dma_wait3A_194 = tpu.memref_slice %arg7[%dma_wait3A_191, %dma_wait3A_192, %dma_wait3A_193] : memref<4x50x64xf32, #tpu.memory_space<vmem>> -> memref<1x50x64xf32, #tpu.memory_space<vmem>>
      %dma_wait3A_195 = tpu.memref_squeeze %dma_wait3A_194 : memref<1x50x64xf32, #tpu.memory_space<vmem>> -> memref<50x64xf32, #tpu.memory_space<vmem>>
      %dma_wait3A_196 = tpu.memref_slice %arg6[%mul3A_181] : memref<7184xi32, #tpu.memory_space<vmem>> -> memref<50xi32, #tpu.memory_space<vmem>>
      %dma_wait3A_197 = arith.constant 0 : i32
      %dma_wait3A_198 = arith.constant 0 : i32
      %dma_wait3A_199 = tpu.memref_slice %arg9[%dma_wait3A_197, %dma_wait3A_198] : memref<2048x64xf32, #tpu.memory_space<vmem_shared>> -> memref<2048x64xf32, #tpu.memory_space<vmem_shared>>
      tpu.wait_indirect_dma semaphore(%arg14 : memref<!tpu.dma_semaphore, #tpu.memory_space<semaphore_mem>>) src(%dma_wait3A_195 : memref<50x64xf32, #tpu.memory_space<vmem>>) dst(%dma_wait3A_199 : memref<2048x64xf32, #tpu.memory_space<vmem_shared>>)
      %add3A_200 = arith.constant 4 : i32
      %add3A_201 = arith.addi %add3A_168, %add3A_200 : i32
      %lt3A_202 = arith.constant 128 : i32
      %lt3A_203 = arith.cmpi slt, %add3A_201, %lt3A_202 : i32
      %convert_element_type3A_204 = arith.extui %lt3A_203 : i1 to i32
      %cond3A_205 = arith.constant 0 : i32
      %cond3A_206 = arith.cmpi ne, %convert_element_type3A_204, %cond3A_205 : i32
      scf.if %cond3A_206 {
        %add3A_249 = arith.constant 4 : i32
        %add3A_250 = arith.addi %add3A_168, %add3A_249 : i32
        %dma_start3A_251 = arith.constant 2 : i32
        %dma_start3A_252 = arith.constant 0 : i32
        %dma_start3A_253 = arith.constant 0 : i32
        %dma_start3A_254 = tpu.memref_slice %arg7[%dma_start3A_251, %dma_start3A_252, %dma_start3A_253] : memref<4x50x64xf32, #tpu.memory_space<vmem>> -> memref<1x50x64xf32, #tpu.memory_space<vmem>>
        %dma_start3A_255 = tpu.memref_squeeze %dma_start3A_254 : memref<1x50x64xf32, #tpu.memory_space<vmem>> -> memref<50x64xf32, #tpu.memory_space<vmem>>
        %dma_start3A_256 = arith.constant 0 : i32
        %dma_start3A_257 = tpu.memref_slice %arg5[%add3A_250, %dma_start3A_256] : memref<128x50xi32, #tpu.memory_space<vmem>> -> memref<1x50xi32, #tpu.memory_space<vmem>>
        %dma_start3A_258 = tpu.memref_squeeze %dma_start3A_257 : memref<1x50xi32, #tpu.memory_space<vmem>> -> memref<50xi32, #tpu.memory_space<vmem>>
        %dma_start3A_259 = arith.constant 0 : i32
        %dma_start3A_260 = arith.constant 0 : i32
        %dma_start3A_261 = tpu.memref_slice %arg2[%dma_start3A_259, %dma_start3A_260] : memref<100000x64xf32, #tpu.memory_space<hbm>> -> memref<100000x64xf32, #tpu.memory_space<hbm>>
        tpu.enqueue_indirect_dma source(%dma_start3A_261 : memref<100000x64xf32, #tpu.memory_space<hbm>>) target(%dma_start3A_255 : memref<50x64xf32, #tpu.memory_space<vmem>>) offsets(%dma_start3A_258 : memref<50xi32, #tpu.memory_space<vmem>>) semaphore(%arg12 : memref<!tpu.dma_semaphore, #tpu.memory_space<semaphore_mem>>)
      } else {
      }
      %mul3A_207 = arith.constant 4 : i32
      %mul3A_208 = arith.muli %scan3A_84, %mul3A_207 : i32
      %add3A_209 = arith.constant 3 : i32
      %add3A_210 = arith.addi %mul3A_208, %add3A_209 : i32
      %dma_wait3A_211 = arith.constant 3 : i32
      %dma_wait3A_212 = arith.constant 0 : i32
      %dma_wait3A_213 = arith.constant 0 : i32
      %dma_wait3A_214 = tpu.memref_slice %arg7[%dma_wait3A_211, %dma_wait3A_212, %dma_wait3A_213] : memref<4x50x64xf32, #tpu.memory_space<vmem>> -> memref<1x50x64xf32, #tpu.memory_space<vmem>>
      %dma_wait3A_215 = tpu.memref_squeeze %dma_wait3A_214 : memref<1x50x64xf32, #tpu.memory_space<vmem>> -> memref<50x64xf32, #tpu.memory_space<vmem>>
      %dma_wait3A_216 = arith.constant 0 : i32
      %dma_wait3A_217 = tpu.memref_slice %arg5[%add3A_210, %dma_wait3A_216] : memref<128x50xi32, #tpu.memory_space<vmem>> -> memref<1x50xi32, #tpu.memory_space<vmem>>
      %dma_wait3A_218 = tpu.memref_squeeze %dma_wait3A_217 : memref<1x50xi32, #tpu.memory_space<vmem>> -> memref<50xi32, #tpu.memory_space<vmem>>
      %dma_wait3A_219 = arith.constant 0 : i32
      %dma_wait3A_220 = arith.constant 0 : i32
      %dma_wait3A_221 = tpu.memref_slice %arg2[%dma_wait3A_219, %dma_wait3A_220] : memref<100000x64xf32, #tpu.memory_space<hbm>> -> memref<100000x64xf32, #tpu.memory_space<hbm>>
      tpu.wait_indirect_dma semaphore(%arg13 : memref<!tpu.dma_semaphore, #tpu.memory_space<semaphore_mem>>) src(%dma_wait3A_221 : memref<100000x64xf32, #tpu.memory_space<hbm>>) dst(%dma_wait3A_215 : memref<50x64xf32, #tpu.memory_space<vmem>>)
      %mul3A_222 = arith.constant 56 : i32
      %mul3A_223 = arith.muli %add3A_210, %mul3A_222 : i32
      %dma_start3A_224 = arith.constant 3 : i32
      %dma_start3A_225 = arith.constant 0 : i32
      %dma_start3A_226 = arith.constant 0 : i32
      %dma_start3A_227 = tpu.memref_slice %arg7[%dma_start3A_224, %dma_start3A_225, %dma_start3A_226] : memref<4x50x64xf32, #tpu.memory_space<vmem>> -> memref<1x50x64xf32, #tpu.memory_space<vmem>>
      %dma_start3A_228 = tpu.memref_squeeze %dma_start3A_227 : memref<1x50x64xf32, #tpu.memory_space<vmem>> -> memref<50x64xf32, #tpu.memory_space<vmem>>
      %dma_start3A_229 = tpu.memref_slice %arg6[%mul3A_223] : memref<7184xi32, #tpu.memory_space<vmem>> -> memref<50xi32, #tpu.memory_space<vmem>>
      %dma_start3A_230 = arith.constant 0 : i32
      %dma_start3A_231 = arith.constant 0 : i32
      %dma_start3A_232 = tpu.memref_slice %arg9[%dma_start3A_230, %dma_start3A_231] : memref<2048x64xf32, #tpu.memory_space<vmem_shared>> -> memref<2048x64xf32, #tpu.memory_space<vmem_shared>>
      tpu.enqueue_indirect_dma source(%dma_start3A_228 : memref<50x64xf32, #tpu.memory_space<vmem>>) target(%dma_start3A_232 : memref<2048x64xf32, #tpu.memory_space<vmem_shared>>) offsets(%dma_start3A_229 : memref<50xi32, #tpu.memory_space<vmem>>) semaphore(%arg14 : memref<!tpu.dma_semaphore, #tpu.memory_space<semaphore_mem>>) {add = true}
      %dma_wait3A_233 = arith.constant 3 : i32
      %dma_wait3A_234 = arith.constant 0 : i32
      %dma_wait3A_235 = arith.constant 0 : i32
      %dma_wait3A_236 = tpu.memref_slice %arg7[%dma_wait3A_233, %dma_wait3A_234, %dma_wait3A_235] : memref<4x50x64xf32, #tpu.memory_space<vmem>> -> memref<1x50x64xf32, #tpu.memory_space<vmem>>
      %dma_wait3A_237 = tpu.memref_squeeze %dma_wait3A_236 : memref<1x50x64xf32, #tpu.memory_space<vmem>> -> memref<50x64xf32, #tpu.memory_space<vmem>>
      %dma_wait3A_238 = tpu.memref_slice %arg6[%mul3A_223] : memref<7184xi32, #tpu.memory_space<vmem>> -> memref<50xi32, #tpu.memory_space<vmem>>
      %dma_wait3A_239 = arith.constant 0 : i32
      %dma_wait3A_240 = arith.constant 0 : i32
      %dma_wait3A_241 = tpu.memref_slice %arg9[%dma_wait3A_239, %dma_wait3A_240] : memref<2048x64xf32, #tpu.memory_space<vmem_shared>> -> memref<2048x64xf32, #tpu.memory_space<vmem_shared>>
      tpu.wait_indirect_dma semaphore(%arg14 : memref<!tpu.dma_semaphore, #tpu.memory_space<semaphore_mem>>) src(%dma_wait3A_237 : memref<50x64xf32, #tpu.memory_space<vmem>>) dst(%dma_wait3A_241 : memref<2048x64xf32, #tpu.memory_space<vmem_shared>>)
      %add3A_242 = arith.constant 4 : i32
      %add3A_243 = arith.addi %add3A_210, %add3A_242 : i32
      %lt3A_244 = arith.constant 128 : i32
      %lt3A_245 = arith.cmpi slt, %add3A_243, %lt3A_244 : i32
      %convert_element_type3A_246 = arith.extui %lt3A_245 : i1 to i32
      %cond3A_247 = arith.constant 0 : i32
      %cond3A_248 = arith.cmpi ne, %convert_element_type3A_246, %cond3A_247 : i32
      scf.if %cond3A_248 {
        %add3A_249 = arith.constant 4 : i32
        %add3A_250 = arith.addi %add3A_210, %add3A_249 : i32
        %dma_start3A_251 = arith.constant 3 : i32
        %dma_start3A_252 = arith.constant 0 : i32
        %dma_start3A_253 = arith.constant 0 : i32
        %dma_start3A_254 = tpu.memref_slice %arg7[%dma_start3A_251, %dma_start3A_252, %dma_start3A_253] : memref<4x50x64xf32, #tpu.memory_space<vmem>> -> memref<1x50x64xf32, #tpu.memory_space<vmem>>
        %dma_start3A_255 = tpu.memref_squeeze %dma_start3A_254 : memref<1x50x64xf32, #tpu.memory_space<vmem>> -> memref<50x64xf32, #tpu.memory_space<vmem>>
        %dma_start3A_256 = arith.constant 0 : i32
        %dma_start3A_257 = tpu.memref_slice %arg5[%add3A_250, %dma_start3A_256] : memref<128x50xi32, #tpu.memory_space<vmem>> -> memref<1x50xi32, #tpu.memory_space<vmem>>
        %dma_start3A_258 = tpu.memref_squeeze %dma_start3A_257 : memref<1x50xi32, #tpu.memory_space<vmem>> -> memref<50xi32, #tpu.memory_space<vmem>>
        %dma_start3A_259 = arith.constant 0 : i32
        %dma_start3A_260 = arith.constant 0 : i32
        %dma_start3A_261 = tpu.memref_slice %arg2[%dma_start3A_259, %dma_start3A_260] : memref<100000x64xf32, #tpu.memory_space<hbm>> -> memref<100000x64xf32, #tpu.memory_space<hbm>>
        tpu.enqueue_indirect_dma source(%dma_start3A_261 : memref<100000x64xf32, #tpu.memory_space<hbm>>) target(%dma_start3A_255 : memref<50x64xf32, #tpu.memory_space<vmem>>) offsets(%dma_start3A_258 : memref<50xi32, #tpu.memory_space<vmem>>) semaphore(%arg13 : memref<!tpu.dma_semaphore, #tpu.memory_space<semaphore_mem>>)
      } else {
      }
    }
    %scan3A_73 = arith.constant 32 : i32
    %mul3A_74 = arith.constant 128 : i32
    %mul3A_75 = arith.muli %arg1, %mul3A_74 : i32
    "tpu.region"() ({
      %run_scoped3A = tpu.sem_alloc : memref<!tpu.dma_semaphore, #tpu.memory_space<semaphore_mem>>
      %dma_start3A_84 = arith.constant 0 : i32
      %dma_start3A_85 = tpu.memref_slice %arg9[%mul3A_75, %dma_start3A_84] : memref<2048x64xf32, #tpu.memory_space<vmem_shared>> -> memref<128x64xf32, #tpu.memory_space<vmem_shared>>
      %dma_start3A_86 = arith.constant 0 : i32
      %dma_start3A_87 = tpu.memref_slice %arg9[%mul3A_75, %dma_start3A_86] : memref<2048x64xf32, #tpu.memory_space<vmem_shared>> -> memref<128x64xf32, #tpu.memory_space<vmem_shared>>
      tpu.enqueue_dma source(%dma_start3A_87 : memref<128x64xf32, #tpu.memory_space<vmem_shared>>) target(%arg8 : memref<128x64xf32, #tpu.memory_space<vmem>>) target_semaphore(%run_scoped3A : memref<!tpu.dma_semaphore, #tpu.memory_space<semaphore_mem>>)
      %dma_wait3A = arith.constant 0 : i32
      %dma_wait3A_88 = tpu.memref_slice %arg9[%mul3A_75, %dma_wait3A] : memref<2048x64xf32, #tpu.memory_space<vmem_shared>> -> memref<128x64xf32, #tpu.memory_space<vmem_shared>>
      %dma_wait3A_89 = arith.constant 0 : i32
      %dma_wait3A_90 = tpu.memref_slice %arg9[%mul3A_75, %dma_wait3A_89] : memref<2048x64xf32, #tpu.memory_space<vmem_shared>> -> memref<128x64xf32, #tpu.memory_space<vmem_shared>>
      tpu.wait_dma2 semaphore(%run_scoped3A : memref<!tpu.dma_semaphore, #tpu.memory_space<semaphore_mem>>) src(%dma_wait3A_90 : memref<128x64xf32, #tpu.memory_space<vmem_shared>>) dst(%arg8 : memref<128x64xf32, #tpu.memory_space<vmem>>)
      tpu.yield
    }) : () -> ()
    %scan3A_76 = arith.constant 0 : i32
    %scan3A_77 = arith.constant 0 : i32
    %scan3A_78 = arith.constant 16 : i32
    %scan3A_79 = arith.addi %scan3A_77, %scan3A_78 : i32
    %scan3A_80 = arith.constant 1 : i32
    scf.for %scan3A_84 = %scan3A_77 to %scan3A_79 step %scan3A_80  : i32 {
      %mul3A_85 = arith.constant 8 : i32
      %mul3A_86 = arith.muli %scan3A_84, %mul3A_85 : i32
      %add3A_87 = arith.constant 0 : i32
      %add3A_88 = arith.addi %mul3A_86, %add3A_87 : i32
      %get3A = arith.index_cast %add3A_88 : i32 to index
      %get3A_89 = arith.constant 0 : index
      %get3A_90 = tpu.vector_load %arg8[%get3A, %get3A_89] {strides = array<i32>} : memref<128x64xf32, #tpu.memory_space<vmem>>, vector<1x16xf32>,
      %get3A_91 = vector.shape_cast %get3A_90 : vector<1x16xf32> to vector<16xf32>
      %mul3A_92 = arith.constant 2.000000e-02 : f32
      %mul3A_93 = vector.broadcast %mul3A_92 : f32 to vector<16xf32>
      %mul3A_94 = arith.mulf %get3A_91, %mul3A_93 : vector<16xf32>
      %swap3A = arith.index_cast %add3A_88 : i32 to index
      %swap3A_95 = arith.constant 0 : index
      %swap3A_96 = tpu.vector_load %arg8[%swap3A, %swap3A_95] {strides = array<i32>} : memref<128x64xf32, #tpu.memory_space<vmem>>, vector<1x16xf32>,
      %swap3A_97 = vector.shape_cast %swap3A_96 : vector<1x16xf32> to vector<16xf32>
      %swap3A_98 = vector.shape_cast %mul3A_94 : vector<16xf32> to vector<1x16xf32>
      tpu.vector_store %arg8[%swap3A, %swap3A_95], %swap3A_98 {strides = array<i32>} : memref<128x64xf32, #tpu.memory_space<vmem>>, vector<1x16xf32>,
      %get3A_99 = arith.index_cast %add3A_88 : i32 to index
      %get3A_100 = arith.constant 16 : index
      %get3A_101 = tpu.vector_load %arg8[%get3A_99, %get3A_100] {strides = array<i32>} : memref<128x64xf32, #tpu.memory_space<vmem>>, vector<1x16xf32>,
      %get3A_102 = vector.shape_cast %get3A_101 : vector<1x16xf32> to vector<16xf32>
      %mul3A_103 = arith.constant 2.000000e-02 : f32
      %mul3A_104 = vector.broadcast %mul3A_103 : f32 to vector<16xf32>
      %mul3A_105 = arith.mulf %get3A_102, %mul3A_104 : vector<16xf32>
      %swap3A_106 = arith.index_cast %add3A_88 : i32 to index
      %swap3A_107 = arith.constant 16 : index
      %swap3A_108 = tpu.vector_load %arg8[%swap3A_106, %swap3A_107] {strides = array<i32>} : memref<128x64xf32, #tpu.memory_space<vmem>>, vector<1x16xf32>,
      %swap3A_109 = vector.shape_cast %swap3A_108 : vector<1x16xf32> to vector<16xf32>
      %swap3A_110 = vector.shape_cast %mul3A_105 : vector<16xf32> to vector<1x16xf32>
      tpu.vector_store %arg8[%swap3A_106, %swap3A_107], %swap3A_110 {strides = array<i32>} : memref<128x64xf32, #tpu.memory_space<vmem>>, vector<1x16xf32>,
      %get3A_111 = arith.index_cast %add3A_88 : i32 to index
      %get3A_112 = arith.constant 32 : index
      %get3A_113 = tpu.vector_load %arg8[%get3A_111, %get3A_112] {strides = array<i32>} : memref<128x64xf32, #tpu.memory_space<vmem>>, vector<1x16xf32>,
      %get3A_114 = vector.shape_cast %get3A_113 : vector<1x16xf32> to vector<16xf32>
      %mul3A_115 = arith.constant 2.000000e-02 : f32
      %mul3A_116 = vector.broadcast %mul3A_115 : f32 to vector<16xf32>
      %mul3A_117 = arith.mulf %get3A_114, %mul3A_116 : vector<16xf32>
      %swap3A_118 = arith.index_cast %add3A_88 : i32 to index
      %swap3A_119 = arith.constant 32 : index
      %swap3A_120 = tpu.vector_load %arg8[%swap3A_118, %swap3A_119] {strides = array<i32>} : memref<128x64xf32, #tpu.memory_space<vmem>>, vector<1x16xf32>,
      %swap3A_121 = vector.shape_cast %swap3A_120 : vector<1x16xf32> to vector<16xf32>
      %swap3A_122 = vector.shape_cast %mul3A_117 : vector<16xf32> to vector<1x16xf32>
      tpu.vector_store %arg8[%swap3A_118, %swap3A_119], %swap3A_122 {strides = array<i32>} : memref<128x64xf32, #tpu.memory_space<vmem>>, vector<1x16xf32>,
      %get3A_123 = arith.index_cast %add3A_88 : i32 to index
      %get3A_124 = arith.constant 48 : index
      %get3A_125 = tpu.vector_load %arg8[%get3A_123, %get3A_124] {strides = array<i32>} : memref<128x64xf32, #tpu.memory_space<vmem>>, vector<1x16xf32>,
      %get3A_126 = vector.shape_cast %get3A_125 : vector<1x16xf32> to vector<16xf32>
      %mul3A_127 = arith.constant 2.000000e-02 : f32
      %mul3A_128 = vector.broadcast %mul3A_127 : f32 to vector<16xf32>
      %mul3A_129 = arith.mulf %get3A_126, %mul3A_128 : vector<16xf32>
      %swap3A_130 = arith.index_cast %add3A_88 : i32 to index
      %swap3A_131 = arith.constant 48 : index
      %swap3A_132 = tpu.vector_load %arg8[%swap3A_130, %swap3A_131] {strides = array<i32>} : memref<128x64xf32, #tpu.memory_space<vmem>>, vector<1x16xf32>,
      %swap3A_133 = vector.shape_cast %swap3A_132 : vector<1x16xf32> to vector<16xf32>
      %swap3A_134 = vector.shape_cast %mul3A_129 : vector<16xf32> to vector<1x16xf32>
      tpu.vector_store %arg8[%swap3A_130, %swap3A_131], %swap3A_134 {strides = array<i32>} : memref<128x64xf32, #tpu.memory_space<vmem>>, vector<1x16xf32>,
      %mul3A_135 = arith.constant 8 : i32
      %mul3A_136 = arith.muli %scan3A_84, %mul3A_135 : i32
      %add3A_137 = arith.constant 1 : i32
      %add3A_138 = arith.addi %mul3A_136, %add3A_137 : i32
      %get3A_139 = arith.index_cast %add3A_138 : i32 to index
      %get3A_140 = arith.constant 0 : index
      %get3A_141 = tpu.vector_load %arg8[%get3A_139, %get3A_140] {strides = array<i32>} : memref<128x64xf32, #tpu.memory_space<vmem>>, vector<1x16xf32>,
      %get3A_142 = vector.shape_cast %get3A_141 : vector<1x16xf32> to vector<16xf32>
      %mul3A_143 = arith.constant 2.000000e-02 : f32
      %mul3A_144 = vector.broadcast %mul3A_143 : f32 to vector<16xf32>
      %mul3A_145 = arith.mulf %get3A_142, %mul3A_144 : vector<16xf32>
      %swap3A_146 = arith.index_cast %add3A_138 : i32 to index
      %swap3A_147 = arith.constant 0 : index
      %swap3A_148 = tpu.vector_load %arg8[%swap3A_146, %swap3A_147] {strides = array<i32>} : memref<128x64xf32, #tpu.memory_space<vmem>>, vector<1x16xf32>,
      %swap3A_149 = vector.shape_cast %swap3A_148 : vector<1x16xf32> to vector<16xf32>
      %swap3A_150 = vector.shape_cast %mul3A_145 : vector<16xf32> to vector<1x16xf32>
      tpu.vector_store %arg8[%swap3A_146, %swap3A_147], %swap3A_150 {strides = array<i32>} : memref<128x64xf32, #tpu.memory_space<vmem>>, vector<1x16xf32>,
      %get3A_151 = arith.index_cast %add3A_138 : i32 to index
      %get3A_152 = arith.constant 16 : index
      %get3A_153 = tpu.vector_load %arg8[%get3A_151, %get3A_152] {strides = array<i32>} : memref<128x64xf32, #tpu.memory_space<vmem>>, vector<1x16xf32>,
      %get3A_154 = vector.shape_cast %get3A_153 : vector<1x16xf32> to vector<16xf32>
      %mul3A_155 = arith.constant 2.000000e-02 : f32
      %mul3A_156 = vector.broadcast %mul3A_155 : f32 to vector<16xf32>
      %mul3A_157 = arith.mulf %get3A_154, %mul3A_156 : vector<16xf32>
      %swap3A_158 = arith.index_cast %add3A_138 : i32 to index
      %swap3A_159 = arith.constant 16 : index
      %swap3A_160 = tpu.vector_load %arg8[%swap3A_158, %swap3A_159] {strides = array<i32>} : memref<128x64xf32, #tpu.memory_space<vmem>>, vector<1x16xf32>,
      %swap3A_161 = vector.shape_cast %swap3A_160 : vector<1x16xf32> to vector<16xf32>
      %swap3A_162 = vector.shape_cast %mul3A_157 : vector<16xf32> to vector<1x16xf32>
      tpu.vector_store %arg8[%swap3A_158, %swap3A_159], %swap3A_162 {strides = array<i32>} : memref<128x64xf32, #tpu.memory_space<vmem>>, vector<1x16xf32>,
      %get3A_163 = arith.index_cast %add3A_138 : i32 to index
      %get3A_164 = arith.constant 32 : index
      %get3A_165 = tpu.vector_load %arg8[%get3A_163, %get3A_164] {strides = array<i32>} : memref<128x64xf32, #tpu.memory_space<vmem>>, vector<1x16xf32>,
      %get3A_166 = vector.shape_cast %get3A_165 : vector<1x16xf32> to vector<16xf32>
      %mul3A_167 = arith.constant 2.000000e-02 : f32
      %mul3A_168 = vector.broadcast %mul3A_167 : f32 to vector<16xf32>
      %mul3A_169 = arith.mulf %get3A_166, %mul3A_168 : vector<16xf32>
      %swap3A_170 = arith.index_cast %add3A_138 : i32 to index
      %swap3A_171 = arith.constant 32 : index
      %swap3A_172 = tpu.vector_load %arg8[%swap3A_170, %swap3A_171] {strides = array<i32>} : memref<128x64xf32, #tpu.memory_space<vmem>>, vector<1x16xf32>,
      %swap3A_173 = vector.shape_cast %swap3A_172 : vector<1x16xf32> to vector<16xf32>
      %swap3A_174 = vector.shape_cast %mul3A_169 : vector<16xf32> to vector<1x16xf32>
      tpu.vector_store %arg8[%swap3A_170, %swap3A_171], %swap3A_174 {strides = array<i32>} : memref<128x64xf32, #tpu.memory_space<vmem>>, vector<1x16xf32>,
      %get3A_175 = arith.index_cast %add3A_138 : i32 to index
      %get3A_176 = arith.constant 48 : index
      %get3A_177 = tpu.vector_load %arg8[%get3A_175, %get3A_176] {strides = array<i32>} : memref<128x64xf32, #tpu.memory_space<vmem>>, vector<1x16xf32>,
      %get3A_178 = vector.shape_cast %get3A_177 : vector<1x16xf32> to vector<16xf32>
      %mul3A_179 = arith.constant 2.000000e-02 : f32
      %mul3A_180 = vector.broadcast %mul3A_179 : f32 to vector<16xf32>
      %mul3A_181 = arith.mulf %get3A_178, %mul3A_180 : vector<16xf32>
      %swap3A_182 = arith.index_cast %add3A_138 : i32 to index
      %swap3A_183 = arith.constant 48 : index
      %swap3A_184 = tpu.vector_load %arg8[%swap3A_182, %swap3A_183] {strides = array<i32>} : memref<128x64xf32, #tpu.memory_space<vmem>>, vector<1x16xf32>,
      %swap3A_185 = vector.shape_cast %swap3A_184 : vector<1x16xf32> to vector<16xf32>
      %swap3A_186 = vector.shape_cast %mul3A_181 : vector<16xf32> to vector<1x16xf32>
      tpu.vector_store %arg8[%swap3A_182, %swap3A_183], %swap3A_186 {strides = array<i32>} : memref<128x64xf32, #tpu.memory_space<vmem>>, vector<1x16xf32>,
      %mul3A_187 = arith.constant 8 : i32
      %mul3A_188 = arith.muli %scan3A_84, %mul3A_187 : i32
      %add3A_189 = arith.constant 2 : i32
      %add3A_190 = arith.addi %mul3A_188, %add3A_189 : i32
      %get3A_191 = arith.index_cast %add3A_190 : i32 to index
      %get3A_192 = arith.constant 0 : index
      %get3A_193 = tpu.vector_load %arg8[%get3A_191, %get3A_192] {strides = array<i32>} : memref<128x64xf32, #tpu.memory_space<vmem>>, vector<1x16xf32>,
      %get3A_194 = vector.shape_cast %get3A_193 : vector<1x16xf32> to vector<16xf32>
      %mul3A_195 = arith.constant 2.000000e-02 : f32
      %mul3A_196 = vector.broadcast %mul3A_195 : f32 to vector<16xf32>
      %mul3A_197 = arith.mulf %get3A_194, %mul3A_196 : vector<16xf32>
      %swap3A_198 = arith.index_cast %add3A_190 : i32 to index
      %swap3A_199 = arith.constant 0 : index
      %swap3A_200 = tpu.vector_load %arg8[%swap3A_198, %swap3A_199] {strides = array<i32>} : memref<128x64xf32, #tpu.memory_space<vmem>>, vector<1x16xf32>,
      %swap3A_201 = vector.shape_cast %swap3A_200 : vector<1x16xf32> to vector<16xf32>
      %swap3A_202 = vector.shape_cast %mul3A_197 : vector<16xf32> to vector<1x16xf32>
      tpu.vector_store %arg8[%swap3A_198, %swap3A_199], %swap3A_202 {strides = array<i32>} : memref<128x64xf32, #tpu.memory_space<vmem>>, vector<1x16xf32>,
      %get3A_203 = arith.index_cast %add3A_190 : i32 to index
      %get3A_204 = arith.constant 16 : index
      %get3A_205 = tpu.vector_load %arg8[%get3A_203, %get3A_204] {strides = array<i32>} : memref<128x64xf32, #tpu.memory_space<vmem>>, vector<1x16xf32>,
      %get3A_206 = vector.shape_cast %get3A_205 : vector<1x16xf32> to vector<16xf32>
      %mul3A_207 = arith.constant 2.000000e-02 : f32
      %mul3A_208 = vector.broadcast %mul3A_207 : f32 to vector<16xf32>
      %mul3A_209 = arith.mulf %get3A_206, %mul3A_208 : vector<16xf32>
      %swap3A_210 = arith.index_cast %add3A_190 : i32 to index
      %swap3A_211 = arith.constant 16 : index
      %swap3A_212 = tpu.vector_load %arg8[%swap3A_210, %swap3A_211] {strides = array<i32>} : memref<128x64xf32, #tpu.memory_space<vmem>>, vector<1x16xf32>,
      %swap3A_213 = vector.shape_cast %swap3A_212 : vector<1x16xf32> to vector<16xf32>
      %swap3A_214 = vector.shape_cast %mul3A_209 : vector<16xf32> to vector<1x16xf32>
      tpu.vector_store %arg8[%swap3A_210, %swap3A_211], %swap3A_214 {strides = array<i32>} : memref<128x64xf32, #tpu.memory_space<vmem>>, vector<1x16xf32>,
      %get3A_215 = arith.index_cast %add3A_190 : i32 to index
      %get3A_216 = arith.constant 32 : index
      %get3A_217 = tpu.vector_load %arg8[%get3A_215, %get3A_216] {strides = array<i32>} : memref<128x64xf32, #tpu.memory_space<vmem>>, vector<1x16xf32>,
      %get3A_218 = vector.shape_cast %get3A_217 : vector<1x16xf32> to vector<16xf32>
      %mul3A_219 = arith.constant 2.000000e-02 : f32
      %mul3A_220 = vector.broadcast %mul3A_219 : f32 to vector<16xf32>
      %mul3A_221 = arith.mulf %get3A_218, %mul3A_220 : vector<16xf32>
      %swap3A_222 = arith.index_cast %add3A_190 : i32 to index
      %swap3A_223 = arith.constant 32 : index
      %swap3A_224 = tpu.vector_load %arg8[%swap3A_222, %swap3A_223] {strides = array<i32>} : memref<128x64xf32, #tpu.memory_space<vmem>>, vector<1x16xf32>,
      %swap3A_225 = vector.shape_cast %swap3A_224 : vector<1x16xf32> to vector<16xf32>
      %swap3A_226 = vector.shape_cast %mul3A_221 : vector<16xf32> to vector<1x16xf32>
      tpu.vector_store %arg8[%swap3A_222, %swap3A_223], %swap3A_226 {strides = array<i32>} : memref<128x64xf32, #tpu.memory_space<vmem>>, vector<1x16xf32>,
      %get3A_227 = arith.index_cast %add3A_190 : i32 to index
      %get3A_228 = arith.constant 48 : index
      %get3A_229 = tpu.vector_load %arg8[%get3A_227, %get3A_228] {strides = array<i32>} : memref<128x64xf32, #tpu.memory_space<vmem>>, vector<1x16xf32>,
      %get3A_230 = vector.shape_cast %get3A_229 : vector<1x16xf32> to vector<16xf32>
      %mul3A_231 = arith.constant 2.000000e-02 : f32
      %mul3A_232 = vector.broadcast %mul3A_231 : f32 to vector<16xf32>
      %mul3A_233 = arith.mulf %get3A_230, %mul3A_232 : vector<16xf32>
      %swap3A_234 = arith.index_cast %add3A_190 : i32 to index
      %swap3A_235 = arith.constant 48 : index
      %swap3A_236 = tpu.vector_load %arg8[%swap3A_234, %swap3A_235] {strides = array<i32>} : memref<128x64xf32, #tpu.memory_space<vmem>>, vector<1x16xf32>,
      %swap3A_237 = vector.shape_cast %swap3A_236 : vector<1x16xf32> to vector<16xf32>
      %swap3A_238 = vector.shape_cast %mul3A_233 : vector<16xf32> to vector<1x16xf32>
      tpu.vector_store %arg8[%swap3A_234, %swap3A_235], %swap3A_238 {strides = array<i32>} : memref<128x64xf32, #tpu.memory_space<vmem>>, vector<1x16xf32>,
      %mul3A_239 = arith.constant 8 : i32
      %mul3A_240 = arith.muli %scan3A_84, %mul3A_239 : i32
      %add3A_241 = arith.constant 3 : i32
      %add3A_242 = arith.addi %mul3A_240, %add3A_241 : i32
      %get3A_243 = arith.index_cast %add3A_242 : i32 to index
      %get3A_244 = arith.constant 0 : index
      %get3A_245 = tpu.vector_load %arg8[%get3A_243, %get3A_244] {strides = array<i32>} : memref<128x64xf32, #tpu.memory_space<vmem>>, vector<1x16xf32>,
      %get3A_246 = vector.shape_cast %get3A_245 : vector<1x16xf32> to vector<16xf32>
      %mul3A_247 = arith.constant 2.000000e-02 : f32
      %mul3A_248 = vector.broadcast %mul3A_247 : f32 to vector<16xf32>
      %mul3A_249 = arith.mulf %get3A_246, %mul3A_248 : vector<16xf32>
      %swap3A_250 = arith.index_cast %add3A_242 : i32 to index
      %swap3A_251 = arith.constant 0 : index
      %swap3A_252 = tpu.vector_load %arg8[%swap3A_250, %swap3A_251] {strides = array<i32>} : memref<128x64xf32, #tpu.memory_space<vmem>>, vector<1x16xf32>,
      %swap3A_253 = vector.shape_cast %swap3A_252 : vector<1x16xf32> to vector<16xf32>
      %swap3A_254 = vector.shape_cast %mul3A_249 : vector<16xf32> to vector<1x16xf32>
      tpu.vector_store %arg8[%swap3A_250, %swap3A_251], %swap3A_254 {strides = array<i32>} : memref<128x64xf32, #tpu.memory_space<vmem>>, vector<1x16xf32>,
      %get3A_255 = arith.index_cast %add3A_242 : i32 to index
      %get3A_256 = arith.constant 16 : index
      %get3A_257 = tpu.vector_load %arg8[%get3A_255, %get3A_256] {strides = array<i32>} : memref<128x64xf32, #tpu.memory_space<vmem>>, vector<1x16xf32>,
      %get3A_258 = vector.shape_cast %get3A_257 : vector<1x16xf32> to vector<16xf32>
      %mul3A_259 = arith.constant 2.000000e-02 : f32
      %mul3A_260 = vector.broadcast %mul3A_259 : f32 to vector<16xf32>
      %mul3A_261 = arith.mulf %get3A_258, %mul3A_260 : vector<16xf32>
      %swap3A_262 = arith.index_cast %add3A_242 : i32 to index
      %swap3A_263 = arith.constant 16 : index
      %swap3A_264 = tpu.vector_load %arg8[%swap3A_262, %swap3A_263] {strides = array<i32>} : memref<128x64xf32, #tpu.memory_space<vmem>>, vector<1x16xf32>,
      %swap3A_265 = vector.shape_cast %swap3A_264 : vector<1x16xf32> to vector<16xf32>
      %swap3A_266 = vector.shape_cast %mul3A_261 : vector<16xf32> to vector<1x16xf32>
      tpu.vector_store %arg8[%swap3A_262, %swap3A_263], %swap3A_266 {strides = array<i32>} : memref<128x64xf32, #tpu.memory_space<vmem>>, vector<1x16xf32>,
      %get3A_267 = arith.index_cast %add3A_242 : i32 to index
      %get3A_268 = arith.constant 32 : index
      %get3A_269 = tpu.vector_load %arg8[%get3A_267, %get3A_268] {strides = array<i32>} : memref<128x64xf32, #tpu.memory_space<vmem>>, vector<1x16xf32>,
      %get3A_270 = vector.shape_cast %get3A_269 : vector<1x16xf32> to vector<16xf32>
      %mul3A_271 = arith.constant 2.000000e-02 : f32
      %mul3A_272 = vector.broadcast %mul3A_271 : f32 to vector<16xf32>
      %mul3A_273 = arith.mulf %get3A_270, %mul3A_272 : vector<16xf32>
      %swap3A_274 = arith.index_cast %add3A_242 : i32 to index
      %swap3A_275 = arith.constant 32 : index
      %swap3A_276 = tpu.vector_load %arg8[%swap3A_274, %swap3A_275] {strides = array<i32>} : memref<128x64xf32, #tpu.memory_space<vmem>>, vector<1x16xf32>,
      %swap3A_277 = vector.shape_cast %swap3A_276 : vector<1x16xf32> to vector<16xf32>
      %swap3A_278 = vector.shape_cast %mul3A_273 : vector<16xf32> to vector<1x16xf32>
      tpu.vector_store %arg8[%swap3A_274, %swap3A_275], %swap3A_278 {strides = array<i32>} : memref<128x64xf32, #tpu.memory_space<vmem>>, vector<1x16xf32>,
      %get3A_279 = arith.index_cast %add3A_242 : i32 to index
      %get3A_280 = arith.constant 48 : index
      %get3A_281 = tpu.vector_load %arg8[%get3A_279, %get3A_280] {strides = array<i32>} : memref<128x64xf32, #tpu.memory_space<vmem>>, vector<1x16xf32>,
      %get3A_282 = vector.shape_cast %get3A_281 : vector<1x16xf32> to vector<16xf32>
      %mul3A_283 = arith.constant 2.000000e-02 : f32
      %mul3A_284 = vector.broadcast %mul3A_283 : f32 to vector<16xf32>
      %mul3A_285 = arith.mulf %get3A_282, %mul3A_284 : vector<16xf32>
      %swap3A_286 = arith.index_cast %add3A_242 : i32 to index
      %swap3A_287 = arith.constant 48 : index
      %swap3A_288 = tpu.vector_load %arg8[%swap3A_286, %swap3A_287] {strides = array<i32>} : memref<128x64xf32, #tpu.memory_space<vmem>>, vector<1x16xf32>,
      %swap3A_289 = vector.shape_cast %swap3A_288 : vector<1x16xf32> to vector<16xf32>
      %swap3A_290 = vector.shape_cast %mul3A_285 : vector<16xf32> to vector<1x16xf32>
      tpu.vector_store %arg8[%swap3A_286, %swap3A_287], %swap3A_290 {strides = array<i32>} : memref<128x64xf32, #tpu.memory_space<vmem>>, vector<1x16xf32>,
      %mul3A_291 = arith.constant 8 : i32
      %mul3A_292 = arith.muli %scan3A_84, %mul3A_291 : i32
      %add3A_293 = arith.constant 4 : i32
      %add3A_294 = arith.addi %mul3A_292, %add3A_293 : i32
      %get3A_295 = arith.index_cast %add3A_294 : i32 to index
      %get3A_296 = arith.constant 0 : index
      %get3A_297 = tpu.vector_load %arg8[%get3A_295, %get3A_296] {strides = array<i32>} : memref<128x64xf32, #tpu.memory_space<vmem>>, vector<1x16xf32>,
      %get3A_298 = vector.shape_cast %get3A_297 : vector<1x16xf32> to vector<16xf32>
      %mul3A_299 = arith.constant 2.000000e-02 : f32
      %mul3A_300 = vector.broadcast %mul3A_299 : f32 to vector<16xf32>
      %mul3A_301 = arith.mulf %get3A_298, %mul3A_300 : vector<16xf32>
      %swap3A_302 = arith.index_cast %add3A_294 : i32 to index
      %swap3A_303 = arith.constant 0 : index
      %swap3A_304 = tpu.vector_load %arg8[%swap3A_302, %swap3A_303] {strides = array<i32>} : memref<128x64xf32, #tpu.memory_space<vmem>>, vector<1x16xf32>,
      %swap3A_305 = vector.shape_cast %swap3A_304 : vector<1x16xf32> to vector<16xf32>
      %swap3A_306 = vector.shape_cast %mul3A_301 : vector<16xf32> to vector<1x16xf32>
      tpu.vector_store %arg8[%swap3A_302, %swap3A_303], %swap3A_306 {strides = array<i32>} : memref<128x64xf32, #tpu.memory_space<vmem>>, vector<1x16xf32>,
      %get3A_307 = arith.index_cast %add3A_294 : i32 to index
      %get3A_308 = arith.constant 16 : index
      %get3A_309 = tpu.vector_load %arg8[%get3A_307, %get3A_308] {strides = array<i32>} : memref<128x64xf32, #tpu.memory_space<vmem>>, vector<1x16xf32>,
      %get3A_310 = vector.shape_cast %get3A_309 : vector<1x16xf32> to vector<16xf32>
      %mul3A_311 = arith.constant 2.000000e-02 : f32
      %mul3A_312 = vector.broadcast %mul3A_311 : f32 to vector<16xf32>
      %mul3A_313 = arith.mulf %get3A_310, %mul3A_312 : vector<16xf32>
      %swap3A_314 = arith.index_cast %add3A_294 : i32 to index
      %swap3A_315 = arith.constant 16 : index
      %swap3A_316 = tpu.vector_load %arg8[%swap3A_314, %swap3A_315] {strides = array<i32>} : memref<128x64xf32, #tpu.memory_space<vmem>>, vector<1x16xf32>,
      %swap3A_317 = vector.shape_cast %swap3A_316 : vector<1x16xf32> to vector<16xf32>
      %swap3A_318 = vector.shape_cast %mul3A_313 : vector<16xf32> to vector<1x16xf32>
      tpu.vector_store %arg8[%swap3A_314, %swap3A_315], %swap3A_318 {strides = array<i32>} : memref<128x64xf32, #tpu.memory_space<vmem>>, vector<1x16xf32>,
      %get3A_319 = arith.index_cast %add3A_294 : i32 to index
      %get3A_320 = arith.constant 32 : index
      %get3A_321 = tpu.vector_load %arg8[%get3A_319, %get3A_320] {strides = array<i32>} : memref<128x64xf32, #tpu.memory_space<vmem>>, vector<1x16xf32>,
      %get3A_322 = vector.shape_cast %get3A_321 : vector<1x16xf32> to vector<16xf32>
      %mul3A_323 = arith.constant 2.000000e-02 : f32
      %mul3A_324 = vector.broadcast %mul3A_323 : f32 to vector<16xf32>
      %mul3A_325 = arith.mulf %get3A_322, %mul3A_324 : vector<16xf32>
      %swap3A_326 = arith.index_cast %add3A_294 : i32 to index
      %swap3A_327 = arith.constant 32 : index
      %swap3A_328 = tpu.vector_load %arg8[%swap3A_326, %swap3A_327] {strides = array<i32>} : memref<128x64xf32, #tpu.memory_space<vmem>>, vector<1x16xf32>,
      %swap3A_329 = vector.shape_cast %swap3A_328 : vector<1x16xf32> to vector<16xf32>
      %swap3A_330 = vector.shape_cast %mul3A_325 : vector<16xf32> to vector<1x16xf32>
      tpu.vector_store %arg8[%swap3A_326, %swap3A_327], %swap3A_330 {strides = array<i32>} : memref<128x64xf32, #tpu.memory_space<vmem>>, vector<1x16xf32>,
      %get3A_331 = arith.index_cast %add3A_294 : i32 to index
      %get3A_332 = arith.constant 48 : index
      %get3A_333 = tpu.vector_load %arg8[%get3A_331, %get3A_332] {strides = array<i32>} : memref<128x64xf32, #tpu.memory_space<vmem>>, vector<1x16xf32>,
      %get3A_334 = vector.shape_cast %get3A_333 : vector<1x16xf32> to vector<16xf32>
      %mul3A_335 = arith.constant 2.000000e-02 : f32
      %mul3A_336 = vector.broadcast %mul3A_335 : f32 to vector<16xf32>
      %mul3A_337 = arith.mulf %get3A_334, %mul3A_336 : vector<16xf32>
      %swap3A_338 = arith.index_cast %add3A_294 : i32 to index
      %swap3A_339 = arith.constant 48 : index
      %swap3A_340 = tpu.vector_load %arg8[%swap3A_338, %swap3A_339] {strides = array<i32>} : memref<128x64xf32, #tpu.memory_space<vmem>>, vector<1x16xf32>,
      %swap3A_341 = vector.shape_cast %swap3A_340 : vector<1x16xf32> to vector<16xf32>
      %swap3A_342 = vector.shape_cast %mul3A_337 : vector<16xf32> to vector<1x16xf32>
      tpu.vector_store %arg8[%swap3A_338, %swap3A_339], %swap3A_342 {strides = array<i32>} : memref<128x64xf32, #tpu.memory_space<vmem>>, vector<1x16xf32>,
      %mul3A_343 = arith.constant 8 : i32
      %mul3A_344 = arith.muli %scan3A_84, %mul3A_343 : i32
      %add3A_345 = arith.constant 5 : i32
      %add3A_346 = arith.addi %mul3A_344, %add3A_345 : i32
      %get3A_347 = arith.index_cast %add3A_346 : i32 to index
      %get3A_348 = arith.constant 0 : index
      %get3A_349 = tpu.vector_load %arg8[%get3A_347, %get3A_348] {strides = array<i32>} : memref<128x64xf32, #tpu.memory_space<vmem>>, vector<1x16xf32>,
      %get3A_350 = vector.shape_cast %get3A_349 : vector<1x16xf32> to vector<16xf32>
      %mul3A_351 = arith.constant 2.000000e-02 : f32
      %mul3A_352 = vector.broadcast %mul3A_351 : f32 to vector<16xf32>
      %mul3A_353 = arith.mulf %get3A_350, %mul3A_352 : vector<16xf32>
      %swap3A_354 = arith.index_cast %add3A_346 : i32 to index
      %swap3A_355 = arith.constant 0 : index
      %swap3A_356 = tpu.vector_load %arg8[%swap3A_354, %swap3A_355] {strides = array<i32>} : memref<128x64xf32, #tpu.memory_space<vmem>>, vector<1x16xf32>,
      %swap3A_357 = vector.shape_cast %swap3A_356 : vector<1x16xf32> to vector<16xf32>
      %swap3A_358 = vector.shape_cast %mul3A_353 : vector<16xf32> to vector<1x16xf32>
      tpu.vector_store %arg8[%swap3A_354, %swap3A_355], %swap3A_358 {strides = array<i32>} : memref<128x64xf32, #tpu.memory_space<vmem>>, vector<1x16xf32>,
      %get3A_359 = arith.index_cast %add3A_346 : i32 to index
      %get3A_360 = arith.constant 16 : index
      %get3A_361 = tpu.vector_load %arg8[%get3A_359, %get3A_360] {strides = array<i32>} : memref<128x64xf32, #tpu.memory_space<vmem>>, vector<1x16xf32>,
      %get3A_362 = vector.shape_cast %get3A_361 : vector<1x16xf32> to vector<16xf32>
      %mul3A_363 = arith.constant 2.000000e-02 : f32
      %mul3A_364 = vector.broadcast %mul3A_363 : f32 to vector<16xf32>
      %mul3A_365 = arith.mulf %get3A_362, %mul3A_364 : vector<16xf32>
      %swap3A_366 = arith.index_cast %add3A_346 : i32 to index
      %swap3A_367 = arith.constant 16 : index
      %swap3A_368 = tpu.vector_load %arg8[%swap3A_366, %swap3A_367] {strides = array<i32>} : memref<128x64xf32, #tpu.memory_space<vmem>>, vector<1x16xf32>,
      %swap3A_369 = vector.shape_cast %swap3A_368 : vector<1x16xf32> to vector<16xf32>
      %swap3A_370 = vector.shape_cast %mul3A_365 : vector<16xf32> to vector<1x16xf32>
      tpu.vector_store %arg8[%swap3A_366, %swap3A_367], %swap3A_370 {strides = array<i32>} : memref<128x64xf32, #tpu.memory_space<vmem>>, vector<1x16xf32>,
      %get3A_371 = arith.index_cast %add3A_346 : i32 to index
      %get3A_372 = arith.constant 32 : index
      %get3A_373 = tpu.vector_load %arg8[%get3A_371, %get3A_372] {strides = array<i32>} : memref<128x64xf32, #tpu.memory_space<vmem>>, vector<1x16xf32>,
      %get3A_374 = vector.shape_cast %get3A_373 : vector<1x16xf32> to vector<16xf32>
      %mul3A_375 = arith.constant 2.000000e-02 : f32
      %mul3A_376 = vector.broadcast %mul3A_375 : f32 to vector<16xf32>
      %mul3A_377 = arith.mulf %get3A_374, %mul3A_376 : vector<16xf32>
      %swap3A_378 = arith.index_cast %add3A_346 : i32 to index
      %swap3A_379 = arith.constant 32 : index
      %swap3A_380 = tpu.vector_load %arg8[%swap3A_378, %swap3A_379] {strides = array<i32>} : memref<128x64xf32, #tpu.memory_space<vmem>>, vector<1x16xf32>,
      %swap3A_381 = vector.shape_cast %swap3A_380 : vector<1x16xf32> to vector<16xf32>
      %swap3A_382 = vector.shape_cast %mul3A_377 : vector<16xf32> to vector<1x16xf32>
      tpu.vector_store %arg8[%swap3A_378, %swap3A_379], %swap3A_382 {strides = array<i32>} : memref<128x64xf32, #tpu.memory_space<vmem>>, vector<1x16xf32>,
      %get3A_383 = arith.index_cast %add3A_346 : i32 to index
      %get3A_384 = arith.constant 48 : index
      %get3A_385 = tpu.vector_load %arg8[%get3A_383, %get3A_384] {strides = array<i32>} : memref<128x64xf32, #tpu.memory_space<vmem>>, vector<1x16xf32>,
      %get3A_386 = vector.shape_cast %get3A_385 : vector<1x16xf32> to vector<16xf32>
      %mul3A_387 = arith.constant 2.000000e-02 : f32
      %mul3A_388 = vector.broadcast %mul3A_387 : f32 to vector<16xf32>
      %mul3A_389 = arith.mulf %get3A_386, %mul3A_388 : vector<16xf32>
      %swap3A_390 = arith.index_cast %add3A_346 : i32 to index
      %swap3A_391 = arith.constant 48 : index
      %swap3A_392 = tpu.vector_load %arg8[%swap3A_390, %swap3A_391] {strides = array<i32>} : memref<128x64xf32, #tpu.memory_space<vmem>>, vector<1x16xf32>,
      %swap3A_393 = vector.shape_cast %swap3A_392 : vector<1x16xf32> to vector<16xf32>
      %swap3A_394 = vector.shape_cast %mul3A_389 : vector<16xf32> to vector<1x16xf32>
      tpu.vector_store %arg8[%swap3A_390, %swap3A_391], %swap3A_394 {strides = array<i32>} : memref<128x64xf32, #tpu.memory_space<vmem>>, vector<1x16xf32>,
      %mul3A_395 = arith.constant 8 : i32
      %mul3A_396 = arith.muli %scan3A_84, %mul3A_395 : i32
      %add3A_397 = arith.constant 6 : i32
      %add3A_398 = arith.addi %mul3A_396, %add3A_397 : i32
      %get3A_399 = arith.index_cast %add3A_398 : i32 to index
      %get3A_400 = arith.constant 0 : index
      %get3A_401 = tpu.vector_load %arg8[%get3A_399, %get3A_400] {strides = array<i32>} : memref<128x64xf32, #tpu.memory_space<vmem>>, vector<1x16xf32>,
      %get3A_402 = vector.shape_cast %get3A_401 : vector<1x16xf32> to vector<16xf32>
      %mul3A_403 = arith.constant 2.000000e-02 : f32
      %mul3A_404 = vector.broadcast %mul3A_403 : f32 to vector<16xf32>
      %mul3A_405 = arith.mulf %get3A_402, %mul3A_404 : vector<16xf32>
      %swap3A_406 = arith.index_cast %add3A_398 : i32 to index
      %swap3A_407 = arith.constant 0 : index
      %swap3A_408 = tpu.vector_load %arg8[%swap3A_406, %swap3A_407] {strides = array<i32>} : memref<128x64xf32, #tpu.memory_space<vmem>>, vector<1x16xf32>,
      %swap3A_409 = vector.shape_cast %swap3A_408 : vector<1x16xf32> to vector<16xf32>
      %swap3A_410 = vector.shape_cast %mul3A_405 : vector<16xf32> to vector<1x16xf32>
      tpu.vector_store %arg8[%swap3A_406, %swap3A_407], %swap3A_410 {strides = array<i32>} : memref<128x64xf32, #tpu.memory_space<vmem>>, vector<1x16xf32>,
      %get3A_411 = arith.index_cast %add3A_398 : i32 to index
      %get3A_412 = arith.constant 16 : index
      %get3A_413 = tpu.vector_load %arg8[%get3A_411, %get3A_412] {strides = array<i32>} : memref<128x64xf32, #tpu.memory_space<vmem>>, vector<1x16xf32>,
      %get3A_414 = vector.shape_cast %get3A_413 : vector<1x16xf32> to vector<16xf32>
      %mul3A_415 = arith.constant 2.000000e-02 : f32
      %mul3A_416 = vector.broadcast %mul3A_415 : f32 to vector<16xf32>
      %mul3A_417 = arith.mulf %get3A_414, %mul3A_416 : vector<16xf32>
      %swap3A_418 = arith.index_cast %add3A_398 : i32 to index
      %swap3A_419 = arith.constant 16 : index
      %swap3A_420 = tpu.vector_load %arg8[%swap3A_418, %swap3A_419] {strides = array<i32>} : memref<128x64xf32, #tpu.memory_space<vmem>>, vector<1x16xf32>,
      %swap3A_421 = vector.shape_cast %swap3A_420 : vector<1x16xf32> to vector<16xf32>
      %swap3A_422 = vector.shape_cast %mul3A_417 : vector<16xf32> to vector<1x16xf32>
      tpu.vector_store %arg8[%swap3A_418, %swap3A_419], %swap3A_422 {strides = array<i32>} : memref<128x64xf32, #tpu.memory_space<vmem>>, vector<1x16xf32>,
      %get3A_423 = arith.index_cast %add3A_398 : i32 to index
      %get3A_424 = arith.constant 32 : index
      %get3A_425 = tpu.vector_load %arg8[%get3A_423, %get3A_424] {strides = array<i32>} : memref<128x64xf32, #tpu.memory_space<vmem>>, vector<1x16xf32>,
      %get3A_426 = vector.shape_cast %get3A_425 : vector<1x16xf32> to vector<16xf32>
      %mul3A_427 = arith.constant 2.000000e-02 : f32
      %mul3A_428 = vector.broadcast %mul3A_427 : f32 to vector<16xf32>
      %mul3A_429 = arith.mulf %get3A_426, %mul3A_428 : vector<16xf32>
      %swap3A_430 = arith.index_cast %add3A_398 : i32 to index
      %swap3A_431 = arith.constant 32 : index
      %swap3A_432 = tpu.vector_load %arg8[%swap3A_430, %swap3A_431] {strides = array<i32>} : memref<128x64xf32, #tpu.memory_space<vmem>>, vector<1x16xf32>,
      %swap3A_433 = vector.shape_cast %swap3A_432 : vector<1x16xf32> to vector<16xf32>
      %swap3A_434 = vector.shape_cast %mul3A_429 : vector<16xf32> to vector<1x16xf32>
      tpu.vector_store %arg8[%swap3A_430, %swap3A_431], %swap3A_434 {strides = array<i32>} : memref<128x64xf32, #tpu.memory_space<vmem>>, vector<1x16xf32>,
      %get3A_435 = arith.index_cast %add3A_398 : i32 to index
      %get3A_436 = arith.constant 48 : index
      %get3A_437 = tpu.vector_load %arg8[%get3A_435, %get3A_436] {strides = array<i32>} : memref<128x64xf32, #tpu.memory_space<vmem>>, vector<1x16xf32>,
      %get3A_438 = vector.shape_cast %get3A_437 : vector<1x16xf32> to vector<16xf32>
      %mul3A_439 = arith.constant 2.000000e-02 : f32
      %mul3A_440 = vector.broadcast %mul3A_439 : f32 to vector<16xf32>
      %mul3A_441 = arith.mulf %get3A_438, %mul3A_440 : vector<16xf32>
      %swap3A_442 = arith.index_cast %add3A_398 : i32 to index
      %swap3A_443 = arith.constant 48 : index
      %swap3A_444 = tpu.vector_load %arg8[%swap3A_442, %swap3A_443] {strides = array<i32>} : memref<128x64xf32, #tpu.memory_space<vmem>>, vector<1x16xf32>,
      %swap3A_445 = vector.shape_cast %swap3A_444 : vector<1x16xf32> to vector<16xf32>
      %swap3A_446 = vector.shape_cast %mul3A_441 : vector<16xf32> to vector<1x16xf32>
      tpu.vector_store %arg8[%swap3A_442, %swap3A_443], %swap3A_446 {strides = array<i32>} : memref<128x64xf32, #tpu.memory_space<vmem>>, vector<1x16xf32>,
      %mul3A_447 = arith.constant 8 : i32
      %mul3A_448 = arith.muli %scan3A_84, %mul3A_447 : i32
      %add3A_449 = arith.constant 7 : i32
      %add3A_450 = arith.addi %mul3A_448, %add3A_449 : i32
      %get3A_451 = arith.index_cast %add3A_450 : i32 to index
      %get3A_452 = arith.constant 0 : index
      %get3A_453 = tpu.vector_load %arg8[%get3A_451, %get3A_452] {strides = array<i32>} : memref<128x64xf32, #tpu.memory_space<vmem>>, vector<1x16xf32>,
      %get3A_454 = vector.shape_cast %get3A_453 : vector<1x16xf32> to vector<16xf32>
      %mul3A_455 = arith.constant 2.000000e-02 : f32
      %mul3A_456 = vector.broadcast %mul3A_455 : f32 to vector<16xf32>
      %mul3A_457 = arith.mulf %get3A_454, %mul3A_456 : vector<16xf32>
      %swap3A_458 = arith.index_cast %add3A_450 : i32 to index
      %swap3A_459 = arith.constant 0 : index
      %swap3A_460 = tpu.vector_load %arg8[%swap3A_458, %swap3A_459] {strides = array<i32>} : memref<128x64xf32, #tpu.memory_space<vmem>>, vector<1x16xf32>,
      %swap3A_461 = vector.shape_cast %swap3A_460 : vector<1x16xf32> to vector<16xf32>
      %swap3A_462 = vector.shape_cast %mul3A_457 : vector<16xf32> to vector<1x16xf32>
      tpu.vector_store %arg8[%swap3A_458, %swap3A_459], %swap3A_462 {strides = array<i32>} : memref<128x64xf32, #tpu.memory_space<vmem>>, vector<1x16xf32>,
      %get3A_463 = arith.index_cast %add3A_450 : i32 to index
      %get3A_464 = arith.constant 16 : index
      %get3A_465 = tpu.vector_load %arg8[%get3A_463, %get3A_464] {strides = array<i32>} : memref<128x64xf32, #tpu.memory_space<vmem>>, vector<1x16xf32>,
      %get3A_466 = vector.shape_cast %get3A_465 : vector<1x16xf32> to vector<16xf32>
      %mul3A_467 = arith.constant 2.000000e-02 : f32
      %mul3A_468 = vector.broadcast %mul3A_467 : f32 to vector<16xf32>
      %mul3A_469 = arith.mulf %get3A_466, %mul3A_468 : vector<16xf32>
      %swap3A_470 = arith.index_cast %add3A_450 : i32 to index
      %swap3A_471 = arith.constant 16 : index
      %swap3A_472 = tpu.vector_load %arg8[%swap3A_470, %swap3A_471] {strides = array<i32>} : memref<128x64xf32, #tpu.memory_space<vmem>>, vector<1x16xf32>,
      %swap3A_473 = vector.shape_cast %swap3A_472 : vector<1x16xf32> to vector<16xf32>
      %swap3A_474 = vector.shape_cast %mul3A_469 : vector<16xf32> to vector<1x16xf32>
      tpu.vector_store %arg8[%swap3A_470, %swap3A_471], %swap3A_474 {strides = array<i32>} : memref<128x64xf32, #tpu.memory_space<vmem>>, vector<1x16xf32>,
      %get3A_475 = arith.index_cast %add3A_450 : i32 to index
      %get3A_476 = arith.constant 32 : index
      %get3A_477 = tpu.vector_load %arg8[%get3A_475, %get3A_476] {strides = array<i32>} : memref<128x64xf32, #tpu.memory_space<vmem>>, vector<1x16xf32>,
      %get3A_478 = vector.shape_cast %get3A_477 : vector<1x16xf32> to vector<16xf32>
      %mul3A_479 = arith.constant 2.000000e-02 : f32
      %mul3A_480 = vector.broadcast %mul3A_479 : f32 to vector<16xf32>
      %mul3A_481 = arith.mulf %get3A_478, %mul3A_480 : vector<16xf32>
      %swap3A_482 = arith.index_cast %add3A_450 : i32 to index
      %swap3A_483 = arith.constant 32 : index
      %swap3A_484 = tpu.vector_load %arg8[%swap3A_482, %swap3A_483] {strides = array<i32>} : memref<128x64xf32, #tpu.memory_space<vmem>>, vector<1x16xf32>,
      %swap3A_485 = vector.shape_cast %swap3A_484 : vector<1x16xf32> to vector<16xf32>
      %swap3A_486 = vector.shape_cast %mul3A_481 : vector<16xf32> to vector<1x16xf32>
      tpu.vector_store %arg8[%swap3A_482, %swap3A_483], %swap3A_486 {strides = array<i32>} : memref<128x64xf32, #tpu.memory_space<vmem>>, vector<1x16xf32>,
      %get3A_487 = arith.index_cast %add3A_450 : i32 to index
      %get3A_488 = arith.constant 48 : index
      %get3A_489 = tpu.vector_load %arg8[%get3A_487, %get3A_488] {strides = array<i32>} : memref<128x64xf32, #tpu.memory_space<vmem>>, vector<1x16xf32>,
      %get3A_490 = vector.shape_cast %get3A_489 : vector<1x16xf32> to vector<16xf32>
      %mul3A_491 = arith.constant 2.000000e-02 : f32
      %mul3A_492 = vector.broadcast %mul3A_491 : f32 to vector<16xf32>
      %mul3A_493 = arith.mulf %get3A_490, %mul3A_492 : vector<16xf32>
      %swap3A_494 = arith.index_cast %add3A_450 : i32 to index
      %swap3A_495 = arith.constant 48 : index
      %swap3A_496 = tpu.vector_load %arg8[%swap3A_494, %swap3A_495] {strides = array<i32>} : memref<128x64xf32, #tpu.memory_space<vmem>>, vector<1x16xf32>,
      %swap3A_497 = vector.shape_cast %swap3A_496 : vector<1x16xf32> to vector<16xf32>
      %swap3A_498 = vector.shape_cast %mul3A_493 : vector<16xf32> to vector<1x16xf32>
      tpu.vector_store %arg8[%swap3A_494, %swap3A_495], %swap3A_498 {strides = array<i32>} : memref<128x64xf32, #tpu.memory_space<vmem>>, vector<1x16xf32>,
    }
    %scan3A_81 = arith.constant 16 : i32
    %mul3A_82 = arith.constant 128 : i32
    %mul3A_83 = arith.muli %add3A, %mul3A_82 : i32
    "tpu.region"() ({
      %run_scoped3A = tpu.sem_alloc : memref<!tpu.dma_semaphore, #tpu.memory_space<semaphore_mem>>
      %dma_start3A_84 = arith.constant 0 : i32
      %dma_start3A_85 = tpu.memref_slice %arg4[%mul3A_83, %dma_start3A_84] : memref<4096x64xf32, #tpu.memory_space<hbm>> -> memref<128x64xf32, #tpu.memory_space<hbm>>
      %dma_start3A_86 = arith.constant 0 : i32
      %dma_start3A_87 = tpu.memref_slice %arg4[%mul3A_83, %dma_start3A_86] : memref<4096x64xf32, #tpu.memory_space<hbm>> -> memref<128x64xf32, #tpu.memory_space<hbm>>
      tpu.enqueue_dma source(%arg8 : memref<128x64xf32, #tpu.memory_space<vmem>>) target(%dma_start3A_87 : memref<128x64xf32, #tpu.memory_space<hbm>>) target_semaphore(%run_scoped3A : memref<!tpu.dma_semaphore, #tpu.memory_space<semaphore_mem>>)
      %dma_wait3A = arith.constant 0 : i32
      %dma_wait3A_88 = tpu.memref_slice %arg4[%mul3A_83, %dma_wait3A] : memref<4096x64xf32, #tpu.memory_space<hbm>> -> memref<128x64xf32, #tpu.memory_space<hbm>>
      %dma_wait3A_89 = arith.constant 0 : i32
      %dma_wait3A_90 = tpu.memref_slice %arg4[%mul3A_83, %dma_wait3A_89] : memref<4096x64xf32, #tpu.memory_space<hbm>> -> memref<128x64xf32, #tpu.memory_space<hbm>>
      tpu.wait_dma2 semaphore(%run_scoped3A : memref<!tpu.dma_semaphore, #tpu.memory_space<semaphore_mem>>) src(%arg8 : memref<128x64xf32, #tpu.memory_space<vmem>>) dst(%dma_wait3A_90 : memref<128x64xf32, #tpu.memory_space<hbm>>)
      tpu.yield
    }) : () -> ()
    return
  }
}

</mosaic_0001>

<sc_bundles>
// kernel: kernel.3.cloned.1.call-start
scs
__scs_entry_jumppad:
0x0: {  	(pc) =	sbr.rel $0x88, $3  }
0x1: {  	(tag) =	ssettag $0x0;
	lr =	simm.s32 $0x1  }
0x2: {  	[smem:$0x3F9F] =	sst lr;
	_ =	strace $0xD0000000  }
0x3: {  	_ = 	snop  }
0x4: {  	_ = 	snop  }
0x5: {  	_ = 	snop  }
0x6: {  	_ = 	snop  }
0x7: {  	_ = 	snop  }
__scs_overlays_trampoline_lowered:
0x8: {  	[smem:$0x3FAE] =	sst s0  }
0x9: {  	[smem:$0x3FAF] =	sst s1  }
0xa: {  	[smem:$0x3FB0] =	sst s2  }
0xb: {  	[smem:$0x3FB1] =	sst s3  }
0xc: {  	[smem:$0x3FB2] =	sst s4  }
0xd: {  	[smem:$0x3FB3] =	sst s5  }
0xe: {  	[smem:$0x3FB4] =	sst s6  }
0xf: {  	[smem:$0x3FB5] =	sst s7  }
0x10: {  	[smem:$0x3FB6] =	sst s8  }
0x11: {  	[smem:$0x3FB7] =	sst s9;
	s0 =	simm.s32 @!p0 $0x0  }
0x12: {  	s1 =	sld [smem:$0x3F9D];
	s0 =	simm.s32 @p0 $0x1  }
0x13: {  	[smem:$0x3FB8] =	sst s0;
	s0 =	simm.s32 @!p1 $0x0  }
0x14: {  	s2 =	sld [smem:$0x3F9C];
	s0 =	simm.s32 @p1 $0x1  }
0x15: {  	[smem:$0x3FB9] =	sst s0;
	s0 =	simm.s32 @!p2 $0x0  }
0x16: {  	s3 =	sld [smem:$0x3FDB];
	s0 =	simm.s32 @p2 $0x1  }
0x17: {  	s4 =	simm.s32 $0x1BF5;
	[smem:$0x3FBB] =	sst s0  }
0x18: {  	s0 =	sld [smem:$0x3F9E];
	_ =	swait.ge [sflag:s4], $0x0  }
0x19: {  	s7 =	sld [smem:$0x3F9F]  }
0x1a: {  	s8 =	sadd.s32 $0xFFFFE003, lr  }
0x1b: {  	s9 =	sadd.s32 $0xFFFFFEF7, lr;
	s5 =	simm.s32 $0xFFFFFFFF;
	p2 =	slt.u32 s8, $0xFFFFF086  }
0x1c: {  	p1 =	slt.u32 s9, $0xF7A;
	s5 =	simm.s32 @!p2 $0x0  }
0x1d: {  	s5 =	simm.s32 @p1 $0x1;
	p0 =	seq.s32 s7, s2  }
0x1e: {  	s7 =	smul.u32 @!p0 $0xF7A, s2;
	p2 =	seq.s32 @!p0 s5, $0x0  }
0x1f: {  	s9 =	smul.u32 $0xF7A, s1;
	s8 =	simm.s32 @!p0 $0x1BF5;
	p2 =	por !p2, p0  }
0x20: {  	[sflag:s8] =	ssyncset.s32 @!p0 $0xFFFFF086;
	s6 =	sadd.s32 @!p0 s3, s7;
	s7 =	simm.s32 @!p0 $0x108  }
0x21: {  	s3 =	sadd.s32 s3, s9;
	s6 =	sadd.s32 @!p0 $0x88, s6;
	s7 =	simm.s32 @p2 $0x1082  }
0x22: {  	[simem:s7], [sflag:s8] =	dma.local @!p0 [hbm:s6], $0xF7A  }
0x23: {  	s9 =	sor.u32 $0xD0000000, s2;
	s6 =	simm.s32 $0x108;
	_ =	swait.ge @!p0 [sflag:s8], $0x0  }
0x24: {  	s3 =	sadd.s32 $0x88, s3;
	s6 =	simm.s32 @!p1 $0x1082;
	[sflag:s4] =	ssyncset.s32 $0xFFFFF086  }
0x25: {  	[simem:s6], [sflag:s4] =	dma.local [hbm:s3], $0xF7A  }
0x26: {  	[smem:$0x3F9F] =	sst s1;
	(tag) =	ssettag s2;
	_ =	strace s9  }
0x27: {  	s1 =	sld [smem:$0x3FAF]  }
0x28: {  	s2 =	sld [smem:$0x3FB0]  }
0x29: {  	s4 =	sld [smem:$0x3FB2]  }
0x2a: {  	p0 =	seq.s32 s5, $0x0;
	s5 =	sld [smem:$0x3FB3]  }
0x2b: {  	s6 =	sld [smem:$0x3FB4]  }
0x2c: {  	s7 =	sld [smem:$0x3FB5]  }
0x2d: {  	s3 =	simm.s32 $0x108;
	s8 =	sld [smem:$0x3FB6]  }
0x2e: {  	s3 =	simm.s32 @!p0 $0x1082;
	s9 =	sld [smem:$0x3FB7]  }
0x2f: {  	lr =	sadd.s32 s0, s3;
	s0 =	sld [smem:$0x3FAE]  }
0x30: {  	s3 =	sld [smem:$0x3FB1]  }
0x31: {  	[smem:$0x3FBA] =	sst s10  }
0x32: {  	s10 =	sld [smem:$0x3FB8];
	_ =	sdelay $0x3  }
0x33: {  	p0 =	seq.s32 s10, $0x1;
	s10 =	sld [smem:$0x3FBA];
	_ =	sdelay $0x3  }
0x34: {  	[smem:$0x3FBA] =	sst s10  }
0x35: {  	s10 =	sld [smem:$0x3FB9];
	_ =	sdelay $0x3  }
0x36: {  	p1 =	seq.s32 s10, $0x1;
	s10 =	sld [smem:$0x3FBA];
	_ =	sdelay $0x3  }
0x37: {  	[smem:$0x3FBA] =	sst s10  }
0x38: {  	s10 =	sld [smem:$0x3FBB]  }
0x39: {  	_ = 	snop;
	(pc) =	sbr.ind lr, $3  }
0x3a: {  	_ = 	snop  }
0x3b: {  	_ = 	snop  }
0x3c: {  	p2 =	seq.s32 s10, $0x1;
	s10 =	sld [smem:$0x3FBA]  }
0x3d: {  	_ =	shalt  }
0x3e: {  	_ =	shalt  }
0x3f: {  	_ =	shalt  }
0x40: {  	_ =	shalt  }
0x41: {  	_ =	shalt  }
0x42: {  	_ =	shalt  }
0x43: {  	_ =	shalt  }
0x44: {  	_ =	shalt  }
0x45: {  	_ =	shalt  }
0x46: {  	_ =	shalt  }
0x47: {  	_ =	shalt  }
0x48: {  	_ =	shalt  }
0x49: {  	_ =	shalt  }
0x4a: {  	_ =	shalt  }
0x4b: {  	_ =	shalt  }
0x4c: {  	_ =	shalt  }
0x4d: {  	_ =	shalt  }
0x4e: {  	_ =	shalt  }
0x4f: {  	_ =	shalt  }
0x50: {  	_ =	shalt  }
0x51: {  	_ =	shalt  }
0x52: {  	_ =	shalt  }
0x53: {  	_ =	shalt  }
0x54: {  	_ =	shalt  }
0x55: {  	_ =	shalt  }
0x56: {  	_ =	shalt  }
0x57: {  	_ =	shalt  }
0x58: {  	_ =	shalt  }
0x59: {  	_ =	shalt  }
0x5a: {  	_ =	shalt  }
0x5b: {  	_ =	shalt  }
0x5c: {  	_ =	shalt  }
0x5d: {  	_ =	shalt  }
0x5e: {  	_ =	shalt  }
0x5f: {  	_ =	shalt  }
0x60: {  	_ =	shalt  }
0x61: {  	_ =	shalt  }
0x62: {  	_ =	shalt  }
0x63: {  	_ =	shalt  }
0x64: {  	_ =	shalt  }
0x65: {  	_ =	shalt  }
0x66: {  	_ =	shalt  }
0x67: {  	_ =	shalt  }
0x68: {  	_ =	shalt  }
0x69: {  	_ =	shalt  }
0x6a: {  	_ =	shalt  }
0x6b: {  	_ =	shalt  }
0x6c: {  	_ =	shalt  }
0x6d: {  	_ =	shalt  }
0x6e: {  	_ =	shalt  }
0x6f: {  	_ =	shalt  }
0x70: {  	_ =	shalt  }
0x71: {  	_ =	shalt  }
0x72: {  	_ =	shalt  }
0x73: {  	_ =	shalt  }
0x74: {  	_ =	shalt  }
0x75: {  	_ =	shalt  }
0x76: {  	_ =	shalt  }
0x77: {  	_ =	shalt  }
0x78: {  	_ =	shalt  }
0x79: {  	_ =	shalt  }
0x7a: {  	_ =	shalt  }
0x7b: {  	_ =	shalt  }
0x7c: {  	_ =	shalt  }
0x7d: {  	_ =	shalt  }
0x7e: {  	_ =	shalt  }
0x7f: {  	_ =	shalt  }
0x80: {  	_ =	shalt  }
0x81: {  	_ =	shalt  }
0x82: {  	_ =	shalt  }
0x83: {  	_ =	shalt  }
0x84: {  	_ =	shalt  }
0x85: {  	_ =	shalt  }
0x86: {  	_ =	shalt  }
0x87: {  	_ =	shalt  }
.Lfunc_end0:
.L_simem_size_0:
called_computation_lowered:
.L_overlay_start_0:
0x88: {  	s2 =	sld [smem:$0x3FD9]  }
0x89: {  	s3 =	sld [smem:$0x3FFE];
	_ =	sdelay $0x1  }
0x8a: {  	s1 =	srdreg.scid  }
0x8b: {  	s0 =	sand.u32 $0x1, s1  }
0x8c: {  	s17 =	sshll.u32 s0, $0xA;
	s2 =	sadd.s32 s3, s2  }
0x8d: {  	s2 =	sadd.s32 s2, s17  }
0x8e: {  	[smem:$0x3FC6] =	sst s2  }
0x8f: {  	_ = 	snop  }
0x90: {  	s2 =	sld [smem:$0x3FD0];
	(tm) =	ssettm $0x1  }
0x91: {  	s18 =	sld [smem:$0x3FFB];
	_ =	sdelay $0x3  }
0x92: {  	_ =	strace s18  }
0x93: {  	s3 =	sld [smem:$0x3FFC];
	_ =	sdelay $0x3  }
0x94: {  	_ =	strace s3  }
0x95: {  	s3 =	sld [smem:$0x3FFD];
	_ =	sdelay $0x3  }
0x96: {  	_ =	strace s3  }
0x97: {  	_ =	strace $0x8FFFFFFF  }
0x98: {  	s19 =	sld [smem:$0x3FDB];
	_ =	sdelay $0x1  }
0x99: {  	s4 =	simm.s32 $_scs_section_size  }
0x9a: {  	s5 =	simm.s32 $_size__tile_overlayer_lowered;
	s6 =	simm.s32 $_tile_overlayer_lowered  }
0x9b: {  	s22 =	simm.s32 $0x1BFF;
	s21 =	sshll.u32 s6, $0x1;
	s3 =	sadd.s32 s4, s19  }
0x9c: {  	s7 =	simm.s32 $0x0;
	s20 =	sshll.u32 s5, $0x1;
	s5 =	sadd.s32 s21, s3  }
0x9d: {  	[timem:s7], [sflag:s22] =	dma.local [hbm:s5], s20  }
0x9e: {  	_ =	swait.ge [sflag:s22], s20  }
0x9f: {  	s4 =	ssub.s32 $0x0, s20;
	[sflag:s22] =	ssyncset.done $0x0  }
0xa0: {  	[sflag:s22] =	ssyncadd.s32 s4;
	_ =	sdelay $0x1  }
0xa1: {  	s23 =	simm.s32 $0x1B8B  }
0xa2: {  	_ =	swait.ge [sflag:s23], $0x1  }
0xa3: {  	[sflag:s23] =	ssyncset.done $0x0  }
0xa4: {  	s25 =	simm.s32 $0x1B8E;
	s24 =	sld [smem:$0x3FFE];
	[sflag:s23] =	ssyncadd.s32 $0xFFFFFFFF  }
0xa5: {  	s26 =	simm.s32 $execute0_lowered;
	[smem:$0x3FD2] =	sst s25  }
0xa6: {  	s5 =	sshll.u32 s26, $0x1;
	_ =	strace $0x80000046;
	[dreg:$0x1] =	wrdreg $0xFFFFFFFF  }
0xa7: {  	s28 =	simm.s32 $_size_execute0_lowered;
	s3 =	sadd.s32 s3, s5;
	[dreg:$0x0] =	wrdreg $0x0  }
0xa8: {  	s5 =	sshll.u32 s28, $0x1;
	[dreg:$0x2] =	wrdreg s3  }
0xa9: {  	[dreg:$0x3] =	wrdreg s5  }
0xaa: {  	[dreg:$0x4] =	wrdreg $0xC0  }
0xab: {  	_ =	task [dreg:s7], $0x5FFFF  }
0xac: {  	[dreg:$0x1] =	wrdreg $0xFFFFFFFF  }
0xad: {  	[dreg:$0x0] =	wrdreg $0x60  }
0xae: {  	[dreg:$0x2] =	wrdreg s24  }
0xaf: {  	[dreg:$0x3] =	wrdreg s2  }
0xb0: {  	[dreg:$0x4] =	wrdreg $0x8A100  }
0xb1: {  	[dreg:$0x5] =	wrdreg $0x9  }
0xb2: {  	_ =	task.clear_ibuf [dreg:s7], $0x6FFFF;
	_ =	strace $0x90000046  }
0xb3: {  	s29 =	simm.s32 $0x9;
	_ =	strace $0x80000048  }
0xb4: {  	_ =	swait.ge [sflag:s29], $0x1  }
0xb5: {  	[sflag:s29] =	ssyncadd.s32 $0xFFFFFFFF  }
0xb6: {  	_ =	strace $0x90000048  }
0xb7: {  	_ =	sfence  }
0xb8: {  	s30 =	sld [smem:$0x0];
	_ =	sdelay $0x2  }
0xb9: {  	s31 =	sshll.u32 s1, $0xD;
	s1 =	sshrl.u32 s1, $0x2  }
0xba: {  	s3 =	sand.u32 $0x4000, s31;
	s1 =	sadd.s32 s1, s30  }
0xbb: {  	s0 =	sor.u32 s3, s0;
	s1 =	sshll.u32 s1, $0x11  }
0xbc: {  	s0 =	sor.u32 s1, s0  }
0xbd: {  	s0 =	sadd.s32 $0x8F2B, s0  }
0xbe: {  	[sflag:s0] =	ssyncadd.remote.s32 $0x1  }
0xbf: {  	_ =	sfence.sel $0xFFFF  }
0xc0: {  	[dreg:$0x0] =	wrdreg $0xFFFFFFFF;
	(pc) =	sbr.abs _section_cstart, $3  }
0xc1: {  	[dreg:$0x1] =	wrdreg $0xFFFFFFFF  }
0xc2: {  	_ =	task.clear_ibuf [dreg:s7], $0x2FFFF;
	_ =	strace $0x9FFFFFFF  }
0xc3: {  	(tm) =	ssettm $0x7FFFFFFF  }
tec
execute0_lowered:
.L_overlay_start_1:
0x0: {  	(tag) =	ssettag $0x1  }
0x1: {  	s1 =	rddreg [dreg:$0x0]  }
0x2: {  	s2 =	srdreg.scid;
	s8 =	rddreg [dreg:$0x1]  }
0x3: {  	s0 =	stileid.u32;
	s3 =	simm.s32 $0x0;
	s11 =	simm.s32 $0x6A10  }
0x4: {  	s12 =	simm.s32 $0x32;
	s13 =	simm.s32 $0x3810;
	s14 =	simm.s32 $0x38  }
0x5: {  	s15 =	simm.s32 $0x4490;
	s16 =	simm.s32 $0x70;
	s17 =	simm.s32 $0x5110  }
0x6: {  	s18 =	simm.s32 $0xA8;
	s19 =	simm.s32 $0x5D90;
	s20 =	simm.s32 $0x1  }
0x7: {  	s21 =	simm.s32 $0x5;
	s22 =	simm.s32 $0x2;
	s23 =	simm.s32 $0x3  }
0x8: {  	s24 =	simm.s32 $0x4;
	s25 =	simm.s32 $0x3720;
	s26 =	simm.s32 $0x3758  }
0x9: {  	s28 =	simm.s32 $0x3790;
	s29 =	simm.s32 $0x37C8;
	s30 =	simm.s32 $0x0  }
0xa: {  	s4 =	sand.u32 $0x1, s2;
	s2 =	rddreg [dreg:$0x2];
	s5 =	sshll.u32 s0, $0x8  }
0xb: {  	[smem:$0x7FF] =	sst s3;
	s31 =	sshll.u32 s0, $0xD;
	s6 =	sshll.u32 s4, $0x7  }
0xc: {  	s7 =	ssub.s32 $0x2, s4;
	_ =	strace $0x80000047;
	s6 =	sor.u32 s6, s5  }
0xd: {  	s4 =	sadd.s32 $0x187000, s1;
	s9 =	sshrl.u32 s7, $0x1;
	s5 =	smul.u32 $0x7, s6  }
0xe: {  	s9 =	ssub.s32 s7, s9;
	s10 =	sshll.u32 s6, $0x3;
	s6 =	sshll.u32 s0, $0x7  }
0xf: {  	s7 =	sadd.s32 s31, s2;
	s8 =	sadd.s32 s8, s10;
	s1 =	sadd.s32 s5, s1  }
0x10: {  	v0 =	vimm.f32 $0.0e+00;
	s9 =	smax.u32 s9, $0x1;
	s10 =	simm.s32 $0x6;
	s5 =	sadd.s32 $0x600, s1  }
.LBB2_1:
0x11: {  	[tilespmem:s3], [sflag:$0x6] =	stream.linear.gather [hbm4b:s5+s3], $0x1C00, $0x38;
	[tilespmem:$0xAA10] =	vst v63  }
0x12: {  	_ =	swait.ge [sflag:s10], $0x1C00  }
0x13: {  	s31 =	sadd.s32 $0x0, s6;
	[sflag:s10] =	ssyncset.done $0x0  }
0x14: {  	s1 =	simm.s32 $0x1C20;
	v1 =	vmov s31;
	[sflag:s10] =	ssyncadd.s32 $0xFFFFE400  }
0x15: {  	[tilespmem:s1+$0x10] =	vst v1  }
0x16: {  	[tilespmem:s1+$0xFFFFFFE0] =	vst v1  }
0x17: {  	[tilespmem:s1+$0xFFFFFFF0] =	vst v1  }
0x18: {  	s31 =	simm.s32 $0x1;
	[tilespmem:s1+$0x0] =	vst v1  }
.LBB2_2:
0x19: {  	s0 =	sadd.s32 s31, s6;
	p0 =	sne.s32 s31, $0x7F;
	s31 =	sadd.s32 $0x1, s31  }
.Ltmp0:
0x1a: {  	s1 =	sadd.s32 $0x38, s1;
	v1 =	vmov s0;
	(pc) =	sbr.rel @p0 .LBB2_2-.Ltmp0, $4  }
0x1b: {  	[tilespmem:s1+$0x10] =	vst v1  }
0x1c: {  	[tilespmem:s1+$0xFFFFFFE0] =	vst v1  }
0x1d: {  	[tilespmem:s1+$0xFFFFFFF0] =	vst v1  }
0x1e: {  	[tilespmem:s1+$0x0] =	vst v1  }
0x1f: {  	s1 =	simm.s32 $0x0;
	s31 =	simm.s32 $0x800  }
.LBB2_4:
0x20: {  	p0 =	sne.s32 s31, $0x7800;
	[tilespmem:s1+$0x6C00] =	vst v0  }
0x21: {  	[tilespmem:s1+$0x6A10] =	vst v0  }
0x22: {  	[tilespmem:s1+$0x6A20] =	vst v0  }
0x23: {  	[tilespmem:s1+$0x6A30] =	vst v0  }
0x24: {  	[tilespmem:s1+$0x6A40] =	vst v0  }
0x25: {  	[tilespmem:s1+$0x6A50] =	vst v0  }
0x26: {  	[tilespmem:s1+$0x6A60] =	vst v0  }
0x27: {  	[tilespmem:s1+$0x6A70] =	vst v0  }
0x28: {  	[tilespmem:s1+$0x6A80] =	vst v0  }
0x29: {  	[tilespmem:s1+$0x6A90] =	vst v0  }
0x2a: {  	[tilespmem:s1+$0x6AA0] =	vst v0  }
0x2b: {  	[tilespmem:s1+$0x6AB0] =	vst v0  }
0x2c: {  	[tilespmem:s1+$0x6AC0] =	vst v0  }
0x2d: {  	[tilespmem:s1+$0x6AD0] =	vst v0  }
0x2e: {  	[tilespmem:s1+$0x6AE0] =	vst v0  }
0x2f: {  	[tilespmem:s1+$0x6AF0] =	vst v0  }
0x30: {  	[tilespmem:s1+$0x6B00] =	vst v0  }
0x31: {  	[tilespmem:s1+$0x6B10] =	vst v0  }
0x32: {  	[tilespmem:s1+$0x6B20] =	vst v0  }
0x33: {  	[tilespmem:s1+$0x6B30] =	vst v0  }
0x34: {  	[tilespmem:s1+$0x6B40] =	vst v0  }
0x35: {  	[tilespmem:s1+$0x6B50] =	vst v0  }
0x36: {  	[tilespmem:s1+$0x6B60] =	vst v0  }
0x37: {  	[tilespmem:s1+$0x6B70] =	vst v0  }
0x38: {  	[tilespmem:s1+$0x6B80] =	vst v0  }
0x39: {  	[tilespmem:s1+$0x6B90] =	vst v0  }
0x3a: {  	[tilespmem:s1+$0x6BA0] =	vst v0  }
.Ltmp1:
0x3b: {  	[tilespmem:s1+$0x6BB0] =	vst v0;
	(pc) =	sbr.rel @p0 .LBB2_4-.Ltmp1, $4  }
0x3c: {  	[tilespmem:s1+$0x6BC0] =	vst v0  }
0x3d: {  	[tilespmem:s1+$0x6BD0] =	vst v0  }
0x3e: {  	[tilespmem:s1+$0x6BE0] =	vst v0  }
0x3f: {  	[tilespmem:s1+$0x6BF0] =	vst v0;
	s1 =	sshra.s32 s31, $0x2;
	s31 =	sadd.s32 $0x800, s31  }
0x40: {  	[tilespmem:s1+$0x6C00] =	vst v0  }
0x41: {  	[tilespmem:s1+$0x6A10] =	vst v0  }
0x42: {  	[tilespmem:s1+$0x6A20] =	vst v0  }
0x43: {  	[tilespmem:s1+$0x6A30] =	vst v0  }
0x44: {  	[tilespmem:s1+$0x6A40] =	vst v0  }
0x45: {  	[tilespmem:s1+$0x6A50] =	vst v0  }
0x46: {  	[tilespmem:s1+$0x6A60] =	vst v0  }
0x47: {  	[tilespmem:s1+$0x6A70] =	vst v0  }
0x48: {  	[tilespmem:s1+$0x6A80] =	vst v0  }
0x49: {  	[tilespmem:s1+$0x6A90] =	vst v0  }
0x4a: {  	[tilespmem:s1+$0x6AA0] =	vst v0  }
0x4b: {  	[tilespmem:s1+$0x6AB0] =	vst v0  }
0x4c: {  	[tilespmem:s1+$0x6AC0] =	vst v0  }
0x4d: {  	[tilespmem:s1+$0x6AD0] =	vst v0  }
0x4e: {  	[tilespmem:s1+$0x6AE0] =	vst v0  }
0x4f: {  	[tilespmem:s1+$0x6AF0] =	vst v0  }
0x50: {  	[tilespmem:s1+$0x6B00] =	vst v0  }
0x51: {  	[tilespmem:s1+$0x6B10] =	vst v0  }
0x52: {  	[tilespmem:s1+$0x6B20] =	vst v0  }
0x53: {  	[tilespmem:s1+$0x6B30] =	vst v0  }
0x54: {  	[tilespmem:s1+$0x6B40] =	vst v0  }
0x55: {  	[tilespmem:s1+$0x6B50] =	vst v0  }
0x56: {  	[tilespmem:s1+$0x6B60] =	vst v0  }
0x57: {  	[tilespmem:s1+$0x6B70] =	vst v0  }
0x58: {  	[tilespmem:s1+$0x6B80] =	vst v0  }
0x59: {  	[tilespmem:s1+$0x6B90] =	vst v0  }
0x5a: {  	[tilespmem:s1+$0x6BA0] =	vst v0  }
0x5b: {  	[tilespmem:s1+$0x6BB0] =	vst v0  }
0x5c: {  	[tilespmem:s1+$0x6BC0] =	vst v0  }
0x5d: {  	[tilespmem:s1+$0x6BD0] =	vst v0  }
0x5e: {  	[tilespmem:s1+$0x6BE0] =	vst v0  }
0x5f: {  	[tilespmem:s1+$0x6BF0] =	vst v0  }
0x60: {  	[spmem:s7] =	stream.linear.scatter [tilespmem:s11], [sflag:$0x6], $0x2000, $0x38;
	[tilespmem:$0xAA10] =	vst v63  }
0x61: {  	_ =	swait.ge [sflag:s10], $0x2000  }
0x62: {  	[sflag:s10] =	ssyncset.done $0x0  }
0x63: {  	s0 =	simm.s32 $0x0;
	[sflag:s10] =	ssyncadd.s32 $0xFFFFE000  }
0x64: {  	[tilespmem:s13], [sflag:$0x1] =	stream.indirect.gather [hbm4b:s4+s12], $0x40, s0, s12, $0xb8;
	[tilespmem:$0xAA10] =	vst v63  }
0x65: {  	_ = 	snop  }
0x66: {  	[tilespmem:s15], [sflag:$0x2] =	stream.indirect.gather [hbm4b:s4+s12], $0x40, s14, s12, $0xb8;
	[tilespmem:$0xAA10] =	vst v63  }
0x67: {  	_ = 	snop  }
0x68: {  	[tilespmem:s17], [sflag:$0x3] =	stream.indirect.gather [hbm4b:s4+s12], $0x40, s16, s12, $0xb8;
	[tilespmem:$0xAA10] =	vst v63  }
0x69: {  	_ = 	snop  }
0x6a: {  	[tilespmem:s19], [sflag:$0x4] =	stream.indirect.gather [hbm4b:s4+s12], $0x40, s18, s12, $0xb8;
	[tilespmem:$0xAA10] =	vst v63  }
0x6b: {  	_ =	swait.ge [sflag:s20], $0xC80  }
0x6c: {  	[sflag:s20] =	ssyncset.done $0x0  }
0x6d: {  	s1 =	simm.s32 $0x1C00;
	[sflag:s20] =	ssyncadd.s32 $0xFFFFF380  }
0x6e: {  	[spmem:s2] =	stream.indirect.scatter.add.f32 [tilespmem:s13], [sflag:$0x5], $0x40, s1, s12, $0xb8;
	[tilespmem:$0xAA10] =	vst v63  }
0x6f: {  	_ =	swait.ge [sflag:s21], $0xC80  }
0x70: {  	[sflag:s21] =	ssyncset.done $0x0  }
0x71: {  	s1 =	simm.s32 $0xE0;
	[sflag:s21] =	ssyncadd.s32 $0xFFFFF380  }
0x72: {  	[tilespmem:s13], [sflag:$0x1] =	stream.indirect.gather [hbm4b:s4+s12], $0x40, s1, s12, $0xb8;
	[tilespmem:$0xAA10] =	vst v63  }
0x73: {  	_ =	swait.ge [sflag:s22], $0xC80  }
0x74: {  	[sflag:s22] =	ssyncset.done $0x0  }
0x75: {  	s1 =	simm.s32 $0x1C38;
	[sflag:s22] =	ssyncadd.s32 $0xFFFFF380  }
0x76: {  	[spmem:s2] =	stream.indirect.scatter.add.f32 [tilespmem:s15], [sflag:$0x5], $0x40, s1, s12, $0xb8;
	[tilespmem:$0xAA10] =	vst v63  }
0x77: {  	_ =	swait.ge [sflag:s21], $0xC80  }
0x78: {  	[sflag:s21] =	ssyncset.done $0x0  }
0x79: {  	s1 =	simm.s32 $0x118;
	[sflag:s21] =	ssyncadd.s32 $0xFFFFF380  }
0x7a: {  	[tilespmem:s15], [sflag:$0x2] =	stream.indirect.gather [hbm4b:s4+s12], $0x40, s1, s12, $0xb8;
	[tilespmem:$0xAA10] =	vst v63  }
0x7b: {  	_ =	swait.ge [sflag:s23], $0xC80  }
0x7c: {  	[sflag:s23] =	ssyncset.done $0x0  }
0x7d: {  	s1 =	simm.s32 $0x1C70;
	[sflag:s23] =	ssyncadd.s32 $0xFFFFF380  }
0x7e: {  	[spmem:s2] =	stream.indirect.scatter.add.f32 [tilespmem:s17], [sflag:$0x5], $0x40, s1, s12, $0xb8;
	[tilespmem:$0xAA10] =	vst v63  }
0x7f: {  	_ =	swait.ge [sflag:s21], $0xC80  }
0x80: {  	[sflag:s21] =	ssyncset.done $0x0  }
0x81: {  	s1 =	simm.s32 $0x150;
	[sflag:s21] =	ssyncadd.s32 $0xFFFFF380  }
0x82: {  	[tilespmem:s17], [sflag:$0x3] =	stream.indirect.gather [hbm4b:s4+s12], $0x40, s1, s12, $0xb8;
	[tilespmem:$0xAA10] =	vst v63  }
0x83: {  	_ =	swait.ge [sflag:s24], $0xC80  }
0x84: {  	[sflag:s24] =	ssyncset.done $0x0  }
0x85: {  	s1 =	simm.s32 $0x1CA8;
	[sflag:s24] =	ssyncadd.s32 $0xFFFFF380  }
0x86: {  	[spmem:s2] =	stream.indirect.scatter.add.f32 [tilespmem:s19], [sflag:$0x5], $0x40, s1, s12, $0xb8;
	[tilespmem:$0xAA10] =	vst v63  }
0x87: {  	_ =	swait.ge [sflag:s21], $0xC80  }
0x88: {  	[sflag:s21] =	ssyncset.done $0x0  }
0x89: {  	s31 =	simm.s32 $0x188;
	s1 =	simm.s32 $0x380;
	[sflag:s21] =	ssyncadd.s32 $0xFFFFF380  }
.LBB2_6:
0x8a: {  	[tilespmem:s19], [sflag:$0x4] =	stream.indirect.gather [hbm4b:s4+s12], $0x40, s31, s12, $0xb8;
	[tilespmem:$0xAA10] =	vst v63  }
0x8b: {  	s0 =	smov.u32 s1  }
0x8c: {  	p0 =	sne.s32 s1, $0x6900;
	s1 =	sadd.s32 $0x380, s1;
	_ =	swait.ge [sflag:s20], $0xC80  }
0x8d: {  	s31 =	sshra.s32 s0, $0x2;
	[sflag:s20] =	ssyncset.done $0x0  }
0x8e: {  	s0 =	sadd.s32 $0x1C00, s31;
	[sflag:s20] =	ssyncadd.s32 $0xFFFFF380  }
0x8f: {  	[spmem:s2] =	stream.indirect.scatter.add.f32 [tilespmem:s13], [sflag:$0x5], $0x40, s0, s12, $0xb8;
	[tilespmem:$0xAA10] =	vst v63  }
0x90: {  	_ =	swait.ge [sflag:s21], $0xC80  }
0x91: {  	[sflag:s21] =	ssyncset.done $0x0  }
0x92: {  	s0 =	sadd.s32 $0xE0, s31;
	[sflag:s21] =	ssyncadd.s32 $0xFFFFF380  }
0x93: {  	[tilespmem:s13], [sflag:$0x1] =	stream.indirect.gather [hbm4b:s4+s12], $0x40, s0, s12, $0xb8;
	[tilespmem:$0xAA10] =	vst v63  }
0x94: {  	_ =	swait.ge [sflag:s22], $0xC80  }
0x95: {  	[sflag:s22] =	ssyncset.done $0x0  }
0x96: {  	s0 =	sadd.s32 $0x1C38, s31;
	[sflag:s22] =	ssyncadd.s32 $0xFFFFF380  }
0x97: {  	[spmem:s2] =	stream.indirect.scatter.add.f32 [tilespmem:s15], [sflag:$0x5], $0x40, s0, s12, $0xb8;
	[tilespmem:$0xAA10] =	vst v63  }
0x98: {  	_ =	swait.ge [sflag:s21], $0xC80  }
0x99: {  	[sflag:s21] =	ssyncset.done $0x0  }
0x9a: {  	s0 =	sadd.s32 $0x118, s31;
	[sflag:s21] =	ssyncadd.s32 $0xFFFFF380  }
0x9b: {  	[tilespmem:s15], [sflag:$0x2] =	stream.indirect.gather [hbm4b:s4+s12], $0x40, s0, s12, $0xb8;
	[tilespmem:$0xAA10] =	vst v63  }
0x9c: {  	_ =	swait.ge [sflag:s23], $0xC80  }
0x9d: {  	[sflag:s23] =	ssyncset.done $0x0  }
0x9e: {  	s0 =	sadd.s32 $0x1C70, s31;
	[sflag:s23] =	ssyncadd.s32 $0xFFFFF380  }
0x9f: {  	[spmem:s2] =	stream.indirect.scatter.add.f32 [tilespmem:s17], [sflag:$0x5], $0x40, s0, s12, $0xb8;
	[tilespmem:$0xAA10] =	vst v63  }
0xa0: {  	_ =	swait.ge [sflag:s21], $0xC80  }
0xa1: {  	[sflag:s21] =	ssyncset.done $0x0  }
0xa2: {  	s0 =	sadd.s32 $0x150, s31;
	[sflag:s21] =	ssyncadd.s32 $0xFFFFF380  }
0xa3: {  	[tilespmem:s17], [sflag:$0x3] =	stream.indirect.gather [hbm4b:s4+s12], $0x40, s0, s12, $0xb8;
	[tilespmem:$0xAA10] =	vst v63  }
0xa4: {  	_ =	swait.ge [sflag:s24], $0xC80  }
0xa5: {  	[sflag:s24] =	ssyncset.done $0x0  }
.Ltmp2:
0xa6: {  	s0 =	sadd.s32 $0x1CA8, s31;
	[sflag:s24] =	ssyncadd.s32 $0xFFFFF380;
	(pc) =	sbr.rel @p0 .LBB2_6-.Ltmp2, $4  }
0xa7: {  	[spmem:s2] =	stream.indirect.scatter.add.f32 [tilespmem:s19], [sflag:$0x5], $0x40, s0, s12, $0xb8;
	[tilespmem:$0xAA10] =	vst v63  }
0xa8: {  	_ =	swait.ge [sflag:s21], $0xC80  }
0xa9: {  	[sflag:s21] =	ssyncset.done $0x0  }
0xaa: {  	s31 =	sadd.s32 $0x188, s31;
	[sflag:s21] =	ssyncadd.s32 $0xFFFFF380  }
0xab: {  	[tilespmem:s19], [sflag:$0x4] =	stream.indirect.gather [hbm4b:s4+s12], $0x40, s31, s12, $0xb8;
	[tilespmem:$0xAA10] =	vst v63  }
0xac: {  	_ =	swait.ge [sflag:s20], $0xC80  }
0xad: {  	[sflag:s20] =	ssyncset.done $0x0  }
0xae: {  	[sflag:s20] =	ssyncadd.s32 $0xFFFFF380  }
0xaf: {  	[spmem:s2] =	stream.indirect.scatter.add.f32 [tilespmem:s13], [sflag:$0x5], $0x40, s25, s12, $0xb8;
	[tilespmem:$0xAA10] =	vst v63  }
0xb0: {  	_ =	swait.ge [sflag:s21], $0xC80  }
0xb1: {  	[sflag:s21] =	ssyncset.done $0x0  }
0xb2: {  	[sflag:s21] =	ssyncadd.s32 $0xFFFFF380  }
0xb3: {  	_ =	swait.ge [sflag:s22], $0xC80  }
0xb4: {  	[sflag:s22] =	ssyncset.done $0x0  }
0xb5: {  	[sflag:s22] =	ssyncadd.s32 $0xFFFFF380  }
0xb6: {  	[spmem:s2] =	stream.indirect.scatter.add.f32 [tilespmem:s15], [sflag:$0x5], $0x40, s26, s12, $0xb8;
	[tilespmem:$0xAA10] =	vst v63  }
0xb7: {  	_ =	swait.ge [sflag:s21], $0xC80  }
0xb8: {  	[sflag:s21] =	ssyncset.done $0x0  }
0xb9: {  	[sflag:s21] =	ssyncadd.s32 $0xFFFFF380  }
0xba: {  	_ =	swait.ge [sflag:s23], $0xC80  }
0xbb: {  	[sflag:s23] =	ssyncset.done $0x0  }
0xbc: {  	[sflag:s23] =	ssyncadd.s32 $0xFFFFF380  }
0xbd: {  	[spmem:s2] =	stream.indirect.scatter.add.f32 [tilespmem:s17], [sflag:$0x5], $0x40, s28, s12, $0xb8;
	[tilespmem:$0xAA10] =	vst v63  }
0xbe: {  	_ =	swait.ge [sflag:s21], $0xC80  }
0xbf: {  	[sflag:s21] =	ssyncset.done $0x0  }
0xc0: {  	[sflag:s21] =	ssyncadd.s32 $0xFFFFF380  }
0xc1: {  	_ =	swait.ge [sflag:s24], $0xC80  }
0xc2: {  	[sflag:s24] =	ssyncset.done $0x0  }
0xc3: {  	[sflag:s24] =	ssyncadd.s32 $0xFFFFF380  }
0xc4: {  	[spmem:s2] =	stream.indirect.scatter.add.f32 [tilespmem:s19], [sflag:$0x5], $0x40, s29, s12, $0xb8;
	[tilespmem:$0xAA10] =	vst v63  }
0xc5: {  	_ =	swait.ge [sflag:s21], $0xC80  }
0xc6: {  	[sflag:s21] =	ssyncset.done $0x0  }
0xc7: {  	[sflag:s21] =	ssyncadd.s32 $0xFFFFF380  }
0xc8: {  	[tilespmem:s11], [sflag:$0x6] =	stream.linear.gather [spmem:s7], $0x2000, $0x38;
	[tilespmem:$0xAA10] =	vst v63  }
0xc9: {  	_ =	swait.ge [sflag:s10], $0x2000  }
0xca: {  	[sflag:s10] =	ssyncset.done $0x0  }
0xcb: {  	s31 =	simm.s32 $0x0;
	[sflag:s10] =	ssyncadd.s32 $0xFFFFE000  }
0xcc: {  	v1 =	vld [tilespmem:s31+$0x6A10]  }
0xcd: {  	v2 =	vld [tilespmem:s31+$0x6A20]  }
0xce: {  	v3 =	vld [tilespmem:s31+$0x6A30]  }
0xcf: {  	v4 =	vld [tilespmem:s31+$0x6A40]  }
0xd0: {  	v5 =	vld [tilespmem:s31+$0x6A50]  }
0xd1: {  	v6 =	vld [tilespmem:s31+$0x6A60];
	v1 =	vmul.f32 $1.999999960e-02, v1  }
0xd2: {  	v7 =	vld [tilespmem:s31+$0x6A70];
	v2 =	vmul.f32 $1.999999960e-02, v2  }
0xd3: {  	v3 =	vmul.f32 $1.999999960e-02, v3;
	[tilespmem:s31+$0x6A10] =	vst v1;
	v1 =	vld [tilespmem:s31+$0x6A80]  }
0xd4: {  	v4 =	vmul.f32 $1.999999960e-02, v4;
	[tilespmem:s31+$0x6A20] =	vst v2;
	v2 =	vld [tilespmem:s31+$0x6A90]  }
0xd5: {  	v5 =	vmul.f32 $1.999999960e-02, v5;
	[tilespmem:s31+$0x6A30] =	vst v3;
	v3 =	vld [tilespmem:s31+$0x6AA0]  }
0xd6: {  	v6 =	vmul.f32 $1.999999960e-02, v6;
	[tilespmem:s31+$0x6A40] =	vst v4;
	v4 =	vld [tilespmem:s31+$0x6AB0]  }
0xd7: {  	v7 =	vmul.f32 $1.999999960e-02, v7;
	[tilespmem:s31+$0x6A50] =	vst v5;
	v5 =	vld [tilespmem:s31+$0x6AC0]  }
0xd8: {  	[tilespmem:s31+$0x6A60] =	vst v6;
	v6 =	vld [tilespmem:s31+$0x6AD0];
	v1 =	vmul.f32 $1.999999960e-02, v1  }
0xd9: {  	[tilespmem:s31+$0x6A70] =	vst v7;
	v7 =	vld [tilespmem:s31+$0x6AE0];
	v2 =	vmul.f32 $1.999999960e-02, v2  }
0xda: {  	v3 =	vmul.f32 $1.999999960e-02, v3;
	[tilespmem:s31+$0x6A80] =	vst v1;
	v1 =	vld [tilespmem:s31+$0x6AF0]  }
0xdb: {  	v4 =	vmul.f32 $1.999999960e-02, v4;
	[tilespmem:s31+$0x6A90] =	vst v2;
	v2 =	vld [tilespmem:s31+$0x6B00]  }
0xdc: {  	v5 =	vmul.f32 $1.999999960e-02, v5;
	[tilespmem:s31+$0x6AA0] =	vst v3;
	v3 =	vld [tilespmem:s31+$0x6B10]  }
0xdd: {  	v6 =	vmul.f32 $1.999999960e-02, v6;
	[tilespmem:s31+$0x6AB0] =	vst v4;
	v4 =	vld [tilespmem:s31+$0x6B20]  }
0xde: {  	v7 =	vmul.f32 $1.999999960e-02, v7;
	[tilespmem:s31+$0x6AC0] =	vst v5;
	v5 =	vld [tilespmem:s31+$0x6B30]  }
0xdf: {  	[tilespmem:s31+$0x6AD0] =	vst v6;
	v6 =	vld [tilespmem:s31+$0x6B40];
	v1 =	vmul.f32 $1.999999960e-02, v1  }
0xe0: {  	[tilespmem:s31+$0x6AE0] =	vst v7;
	v7 =	vld [tilespmem:s31+$0x6B50]  }
0xe1: {  	v2 =	vmul.f32 $1.999999960e-02, v2;
	[tilespmem:s31+$0x6AF0] =	vst v1;
	v1 =	vld [tilespmem:s31+$0x6B60]  }
0xe2: {  	v3 =	vmul.f32 $1.999999960e-02, v3  }
0xe3: {  	[tilespmem:s31+$0x6B00] =	vst v2;
	v2 =	vmul.f32 $1.999999960e-02, v4;
	v4 =	vld [tilespmem:s31+$0x6B80]  }
0xe4: {  	v8 =	vld [tilespmem:s31+$0x6B70];
	[tilespmem:s31+$0x6B10] =	vst v3;
	v3 =	vmul.f32 $1.999999960e-02, v5  }
0xe5: {  	v5 =	vld [tilespmem:s31+$0x6B90];
	[tilespmem:s31+$0x6B20] =	vst v2;
	v2 =	vmul.f32 $1.999999960e-02, v6  }
0xe6: {  	[tilespmem:s31+$0x6B30] =	vst v3;
	v6 =	vld [tilespmem:s31+$0x6BA0];
	v3 =	vmul.f32 $1.999999960e-02, v7;
	v7 =	vmul.f32 $1.999999960e-02, v1  }
0xe7: {  	[tilespmem:s31+$0x6B40] =	vst v2;
	v2 =	vld [tilespmem:s31+$0x6BB0]  }
0xe8: {  	v1 =	vld [tilespmem:s31+$0x6BC0];
	[tilespmem:s31+$0x6B60] =	vst v7;
	v7 =	vmul.f32 $1.999999960e-02, v4  }
0xe9: {  	v8 =	vmul.f32 $1.999999960e-02, v8;
	[tilespmem:s31+$0x6B50] =	vst v3;
	v3 =	vld [tilespmem:s31+$0x6BD0]  }
0xea: {  	v4 =	vld [tilespmem:s31+$0x6BE0];
	[tilespmem:s31+$0x6B80] =	vst v7;
	v7 =	vmul.f32 $1.999999960e-02, v5  }
0xeb: {  	s1 =	simm.s32 $0x800;
	[tilespmem:s31+$0x6B70] =	vst v8;
	v6 =	vmul.f32 $1.999999960e-02, v6;
	v5 =	vld [tilespmem:s31+$0x6BF0]  }
.LBB2_8:
0xec: {  	s0 =	sshra.s32 s1, $0x2;
	p0 =	sne.s32 s1, $0x7800;
	[tilespmem:s31+$0x6B90] =	vst v7;
	v2 =	vmul.f32 $1.999999960e-02, v2;
	v7 =	vld [tilespmem:s31+$0x6C00]  }
0xed: {  	v8 =	vld [tilespmem:s0+$0x6A10];
	[tilespmem:s31+$0x6BA0] =	vst v6;
	v1 =	vmul.f32 $1.999999960e-02, v1  }
0xee: {  	v6 =	vld [tilespmem:s0+$0x6A20];
	[tilespmem:s31+$0x6BB0] =	vst v2;
	v2 =	vmul.f32 $1.999999960e-02, v3  }
0xef: {  	v3 =	vld [tilespmem:s0+$0x6A30];
	[tilespmem:s31+$0x6BC0] =	vst v1;
	v1 =	vmul.f32 $1.999999960e-02, v4  }
0xf0: {  	v4 =	vld [tilespmem:s0+$0x6A40];
	[tilespmem:s31+$0x6BD0] =	vst v2;
	v2 =	vmul.f32 $1.999999960e-02, v5  }
0xf1: {  	v5 =	vld [tilespmem:s0+$0x6A50];
	[tilespmem:s31+$0x6BE0] =	vst v1;
	v1 =	vmul.f32 $1.999999960e-02, v7  }
0xf2: {  	v7 =	vmul.f32 $1.999999960e-02, v8;
	v8 =	vld [tilespmem:s0+$0x6A60];
	[tilespmem:s31+$0x6BF0] =	vst v2  }
0xf3: {  	v2 =	vmul.f32 $1.999999960e-02, v6;
	v6 =	vld [tilespmem:s0+$0x6A70];
	[tilespmem:s31+$0x6C00] =	vst v1;
	s31 =	smov.u32 s0  }
0xf4: {  	[tilespmem:s31+$0x6A10] =	vst v7;
	v1 =	vmul.f32 $1.999999960e-02, v3;
	v3 =	vld [tilespmem:s31+$0x6A80]  }
0xf5: {  	[tilespmem:s31+$0x6A20] =	vst v2;
	v2 =	vmul.f32 $1.999999960e-02, v4;
	v4 =	vld [tilespmem:s31+$0x6A90]  }
0xf6: {  	[tilespmem:s31+$0x6A30] =	vst v1;
	v1 =	vmul.f32 $1.999999960e-02, v5;
	v5 =	vld [tilespmem:s31+$0x6AA0]  }
0xf7: {  	[tilespmem:s31+$0x6A40] =	vst v2;
	v2 =	vmul.f32 $1.999999960e-02, v8;
	v7 =	vld [tilespmem:s31+$0x6AB0]  }
0xf8: {  	[tilespmem:s31+$0x6A50] =	vst v1;
	v1 =	vmul.f32 $1.999999960e-02, v6;
	v6 =	vld [tilespmem:s31+$0x6AC0]  }
0xf9: {  	[tilespmem:s31+$0x6A60] =	vst v2;
	v2 =	vmul.f32 $1.999999960e-02, v3;
	v3 =	vld [tilespmem:s31+$0x6AD0]  }
0xfa: {  	[tilespmem:s31+$0x6A70] =	vst v1;
	v1 =	vmul.f32 $1.999999960e-02, v4;
	v4 =	vld [tilespmem:s31+$0x6AE0]  }
0xfb: {  	[tilespmem:s31+$0x6A80] =	vst v2;
	v2 =	vmul.f32 $1.999999960e-02, v5;
	v5 =	vld [tilespmem:s31+$0x6AF0]  }
0xfc: {  	[tilespmem:s31+$0x6A90] =	vst v1;
	v1 =	vmul.f32 $1.999999960e-02, v7;
	v7 =	vld [tilespmem:s31+$0x6B00]  }
0xfd: {  	[tilespmem:s31+$0x6AA0] =	vst v2;
	v2 =	vmul.f32 $1.999999960e-02, v6;
	v6 =	vld [tilespmem:s31+$0x6B10]  }
0xfe: {  	[tilespmem:s31+$0x6AB0] =	vst v1;
	v1 =	vmul.f32 $1.999999960e-02, v3;
	v3 =	vld [tilespmem:s31+$0x6B20]  }
0xff: {  	[tilespmem:s31+$0x6AC0] =	vst v2;
	v2 =	vmul.f32 $1.999999960e-02, v4;
	v4 =	vld [tilespmem:s31+$0x6B30]  }
0x100: {  	[tilespmem:s31+$0x6AD0] =	vst v1;
	v1 =	vmul.f32 $1.999999960e-02, v5;
	v5 =	vld [tilespmem:s31+$0x6B40]  }
0x101: {  	[tilespmem:s31+$0x6AE0] =	vst v2;
	v2 =	vmul.f32 $1.999999960e-02, v7;
	v7 =	vld [tilespmem:s31+$0x6B50]  }
0x102: {  	[tilespmem:s31+$0x6AF0] =	vst v1;
	v1 =	vmul.f32 $1.999999960e-02, v6;
	v6 =	vld [tilespmem:s31+$0x6B60]  }
0x103: {  	[tilespmem:s31+$0x6B00] =	vst v2;
	v2 =	vmul.f32 $1.999999960e-02, v3;
	v3 =	vld [tilespmem:s31+$0x6B70]  }
0x104: {  	[tilespmem:s31+$0x6B10] =	vst v1;
	v1 =	vmul.f32 $1.999999960e-02, v4;
	v4 =	vld [tilespmem:s31+$0x6B80]  }
0x105: {  	[tilespmem:s31+$0x6B20] =	vst v2;
	v2 =	vmul.f32 $1.999999960e-02, v5;
	v5 =	vld [tilespmem:s31+$0x6B90]  }
0x106: {  	[tilespmem:s31+$0x6B30] =	vst v1;
	v1 =	vmul.f32 $1.999999960e-02, v7;
	v8 =	vld [tilespmem:s31+$0x6BA0]  }
.Ltmp3:
0x107: {  	[tilespmem:s31+$0x6B40] =	vst v2;
	v6 =	vmul.f32 $1.999999960e-02, v6;
	v2 =	vld [tilespmem:s31+$0x6BB0];
	(pc) =	sbr.rel @p0 .LBB2_8-.Ltmp3, $4  }
0x108: {  	[tilespmem:s31+$0x6B50] =	vst v1;
	v7 =	vmul.f32 $1.999999960e-02, v3;
	v1 =	vld [tilespmem:s31+$0x6BC0]  }
0x109: {  	[tilespmem:s31+$0x6B60] =	vst v6;
	v6 =	vmul.f32 $1.999999960e-02, v4;
	v3 =	vld [tilespmem:s31+$0x6BD0]  }
0x10a: {  	[tilespmem:s31+$0x6B70] =	vst v7;
	v7 =	vmul.f32 $1.999999960e-02, v5;
	v4 =	vld [tilespmem:s31+$0x6BE0]  }
0x10b: {  	s1 =	sadd.s32 $0x800, s1;
	[tilespmem:s31+$0x6B80] =	vst v6;
	v6 =	vmul.f32 $1.999999960e-02, v8;
	v5 =	vld [tilespmem:s31+$0x6BF0]  }
0x10c: {  	[tilespmem:s31+$0x6B90] =	vst v7;
	v2 =	vmul.f32 $1.999999960e-02, v2;
	v63 =	vld [tilespmem:s31+$0x6C00]  }
0x10d: {  	[tilespmem:s31+$0x6BA0] =	vst v6;
	v1 =	vmul.f32 $1.999999960e-02, v1  }
0x10e: {  	[tilespmem:s31+$0x6BB0] =	vst v2;
	v2 =	vmul.f32 $1.999999960e-02, v3  }
0x10f: {  	[tilespmem:s31+$0x6BC0] =	vst v1;
	v1 =	vmul.f32 $1.999999960e-02, v4  }
0x110: {  	[tilespmem:s31+$0x6BD0] =	vst v2;
	v2 =	vmul.f32 $1.999999960e-02, v5  }
0x111: {  	s30 =	sadd.s32 $0x1, s30;
	[tilespmem:s31+$0x6BE0] =	vst v1;
	v1 =	vmul.f32 $1.999999960e-02, v63  }
0x112: {  	p0 =	sne.s32 s30, s9;
	[tilespmem:s31+$0x6BF0] =	vst v2  }
.Ltmp4:
0x113: {  	[tilespmem:s31+$0x6C00] =	vst v1;
	(pc) =	sbr.rel @p0 .LBB2_1-.Ltmp4, $4  }
0x114: {  	[hbm4b:s8+s3] =	stream.linear.scatter [tilespmem:s11], [sflag:$0x6], $0x2000, $0x38;
	[tilespmem:$0xAA10] =	vst v63  }
0x115: {  	_ =	swait.ge [sflag:s10], $0x2000  }
0x116: {  	[sflag:s10] =	ssyncset.done $0x0  }
0x117: {  	[sflag:s10] =	ssyncadd.s32 $0xFFFFE000  }
0x118: {  	_ =	sfence.sel $0x180000  }
0x119: {  	[bflag:$0x0] =	sbarrier.arrive $0xFFFF  }
0x11a: {  	_ =	strace $0x90000047  }
0x11b: {  	s0 =	stileid.u32;
	[bflag:$0x2] =	sbarrier.arrive $0xFFFF  }
0x11c: {  	p0 =	sne.s32 s0, $0x0;
	s0 =	rddreg [dreg:$0x3]  }
0x11d: {  	s0 =	sadd.s32 @!p0 $0x100000, s0  }
0x11e: {  	[sflag:s0] =	ssyncadd.tile.s32 @!p0 $0x1;
	_ =	shalt  }
.Lfunc_end2:
_tile_overlayer_lowered:
.L_overlay_start_2:
0x11f: {  	(tag) =	ssettag $0x2  }
0x120: {  	s0 =	rddreg [dreg:$0x0];
	s2 =	stileid.u32  }
0x121: {  	s1 =	rddreg [dreg:$0x1];
	p0 =	sne.s32 s2, $0x0  }
0x122: {  	s3 =	rddreg [dreg:$0x2];
	[bflag:$0x3] =	sbarrier.arrive $0xFFFF;
	s2 =	simm.s32 @!p0 $0x1C06  }
0x123: {  	[timem:s3], [sflag:s2] =	dma.local @!p0 [hbm:s0], s1  }
0x124: {  	s0 =	simm.s32 @!p0 $0x6  }
0x125: {  	_ =	swait.ge @!p0 [sflag:s0], s1  }
0x126: {  	s1 =	ssub.s32 @!p0 $0x0, s1;
	[sflag:s0] =	ssyncset.done @!p0 $0x0  }
0x127: {  	[sflag:s0] =	ssyncadd.s32 @!p0 s1  }
0x128: {  	[bflag:$0x3] =	sbarrier.arrive $0xFFFF  }
0x129: {  	_ =	shalt  }

</sc_bundles>
